<compile_context>
chip_gen: v7x
topology: tpu7x:2x2x1
jax: 0.10.2.dev20260603
libtpu: 0.0.44.dev20260713+nightly
codegen_flags: <defaults>
</compile_context>

<pallas_src>
import jax
import jax.numpy as jnp
from jax import lax
from jax.experimental import pallas as pl
from jax.experimental.pallas import tpu as pltpu
from jax.experimental.pallas import tpu_sc as plsc

H = 128
W = 128
N = 2048

BAND_ROWS = 8
NBANDS = H // BAND_ROWS
P = BAND_ROWS * W
K = 256
NCK = N // K
CHROWS = 16
ALPHA_MIN = 1.0 / 255.0
CULL_SLACK = 0.01
SC_L = 16


def _sc_bin_kernel(chans, czero, geom_o, colp_o, cnt_o,
                   chans_v, geo_v, col_v, cnt_v):
    band = lax.axis_index("s") * 2 + lax.axis_index("c")

    @pl.when(band < NBANDS)
    def _():
        pltpu.sync_copy(chans, chans_v)
        pltpu.sync_copy(czero, col_v)
        blo_s = band.astype(jnp.float32) * BAND_ROWS + 0.5
        bhi_s = blo_s + (BAND_ROWS - 1.0)

        def chunk(i, offv):
            ones = jnp.full((SC_L,), 1, jnp.int32)
            zeros = jnp.zeros((SC_L,), jnp.int32)
            idx = (jnp.broadcast_to(i * SC_L, (SC_L,))
                   + lax.broadcasted_iota(jnp.int32, (SC_L,), 0))
            ylo = plsc.load_gather(chans_v, [idx])
            yhi = plsc.load_gather(chans_v, [idx + jnp.full((SC_L,), N, jnp.int32)])
            m = jnp.logical_and(ylo <= jnp.broadcast_to(bhi_s, (SC_L,)),
                                yhi >= jnp.broadcast_to(blo_s, (SC_L,)))
            mi = jnp.where(m, ones, zeros)
            pos = offv + plsc.cumsum(mi) - ones
            pos8 = pos * jnp.full((SC_L,), 8, jnp.int32)
            for ch in range(8):
                v = plsc.load_gather(
                    chans_v, [idx + jnp.full((SC_L,), (2 + ch) * N, jnp.int32)])
                plsc.store_scatter(
                    geo_v, [pos8 + jnp.full((SC_L,), ch, jnp.int32)], v, mask=m)
            bank = lax.shift_right_logical(pos, jnp.full((SC_L,), 8, jnp.int32))
            lanep = jnp.bitwise_and(pos, jnp.full((SC_L,), 255, jnp.int32))
            cbase = bank * jnp.full((SC_L,), 4 * K, jnp.int32) + lanep
            for j in range(3):
                v = plsc.load_gather(
                    chans_v, [idx + jnp.full((SC_L,), (10 + j) * N, jnp.int32)])
                plsc.store_scatter(
                    col_v, [cbase + jnp.full((SC_L,), j * K, jnp.int32)],
                    v, mask=m)
            return offv + plsc.all_reduce_population_count(m)

        offv = lax.fori_loop(0, N // SC_L, chunk,
                             jnp.zeros((SC_L,), jnp.int32))
        lane = lax.broadcasted_iota(jnp.int32, (SC_L,), 0)
        cnt_v[...] = jnp.where(lane == jnp.zeros((SC_L,), jnp.int32),
                               offv, jnp.zeros((SC_L,), jnp.int32))
        pltpu.sync_copy(geo_v, geom_o.at[band])
        pltpu.sync_copy(col_v, colp_o.at[band])
        pltpu.sync_copy(cnt_v, cnt_o.at[band])


_sc_bin = pl.kernel(
    _sc_bin_kernel,
    mesh=plsc.VectorSubcoreMesh(core_axis_name="c", subcore_axis_name="s"),
    compiler_params=pltpu.CompilerParams(needs_layout_passes=False),
    out_type=[
        jax.ShapeDtypeStruct((NBANDS, N * 8), jnp.float32),
        jax.ShapeDtypeStruct((NBANDS, NCK * 4 * K), jnp.float32),
        jax.ShapeDtypeStruct((NBANDS, SC_L), jnp.int32),
    ],
    scratch_types=[
        pltpu.VMEM((CHROWS * N,), jnp.float32),
        pltpu.VMEM((N * 8,), jnp.float32),
        pltpu.VMEM((NCK * 4 * K,), jnp.float32),
        pltpu.VMEM((SC_L,), jnp.int32),
    ],
)


def _raster_kernel(cnt_ref, geom, colp, ucovxx, ucovxy, ucovyy, bg,
                   color_out, radii_out, pcp_out, mstrict_v, pxy_v):
    b = pl.program_id(0)

    @pl.when(b == 0)
    def _init():
        det = jnp.maximum(ucovxx[...] * ucovyy[...] - ucovxy[...] * ucovxy[...], 1e-8)
        mid = 0.5 * (ucovxx[...] + ucovyy[...])
        lam1 = mid + jnp.sqrt(jnp.maximum(mid * mid - det, 0.1))
        radii_out[...] = jnp.ceil(3.0 * jnp.sqrt(lam1)).astype(jnp.int32)

        ri = lax.broadcasted_iota(jnp.int32, (K, K), 0)
        ci = lax.broadcasted_iota(jnp.int32, (K, K), 1)
        mstrict_v[...] = (ri > ci).astype(jnp.float32)
        lane0 = lax.broadcasted_iota(jnp.int32, (2, P), 1)
        pxy_v[0:1, :] = (lane0[0:1] % W).astype(jnp.float32) + 0.5
        pxy_v[1:2, :] = (lane0[1:2] // W).astype(jnp.float32) + 0.5

    px = pxy_v[0:1, :]
    py = pxy_v[1:2, :] + (b * BAND_ROWS)
    mstrict = mstrict_v[...]
    iota_k1 = lax.broadcasted_iota(jnp.int32, (K, 1), 0)

    cnt = cnt_ref[b]
    trips = lax.div(cnt + (K - 1), K)

    def body(i, carry):
        logT, img = carry
        base = i * K
        gsl = geom[0, pl.ds(base, K), :]
        dx = px - gsl[:, 0:1]
        dy = py - gsl[:, 1:2]
        power = (gsl[:, 2:3] * (dx * dx) + gsl[:, 4:5] * (dy * dy)
                 + gsl[:, 3:4] * (dx * dy))
        power = jnp.minimum(power, 0.0)
        araw = jnp.minimum(0.99, jnp.exp(power + gsl[:, 5:6]))
        m = jnp.logical_and(araw > ALPHA_MIN, base + iota_k1 < cnt)
        alpha = jnp.where(m, araw, 0.0)

        cntv = jnp.sum(m.astype(jnp.float32), axis=1, keepdims=True)
        pcp_out[0, pl.ds(base, K), :] = cntv.astype(jnp.int32)

        logm = jnp.log1p(-alpha)
        s_excl = jnp.dot(mstrict, logm, preferred_element_type=jnp.float32)
        w = jnp.exp(logT + s_excl) * alpha
        ctc = colp[0, i, 0:3, :]
        img = img + jnp.dot(ctc, w, preferred_element_type=jnp.float32)
        logT = logT + jnp.sum(logm, axis=0, keepdims=True)
        return logT, img

    logT = jnp.zeros((1, P), jnp.float32)
    img = jnp.zeros((3, P), jnp.float32)
    logT, img = lax.fori_loop(0, trips, body, (logT, img))

    img = img + bg[...] * jnp.exp(logT)
    for r in range(BAND_ROWS):
        color_out[:, r, :] = img[:, r * W:(r + 1) * W]


@jax.jit
def kernel(means2D, colors, opacities, scales, rotations, depths, background):
    order = jnp.argsort(depths)

    mx = means2D[:, 0]
    my = means2D[:, 1]
    op0 = opacities[:, 0]
    a = jnp.cos(rotations)
    bb = jnp.sin(rotations)
    sx2 = scales[:, 0] ** 2
    sy2 = scales[:, 1] ** 2
    cov_xx = a * a * sx2 + bb * bb * sy2
    cov_xy = a * bb * (sx2 - sy2)
    cov_yy = bb * bb * sx2 + a * a * sy2
    det = jnp.maximum(cov_xx * cov_yy - cov_xy * cov_xy, 1e-8)
    ca = -0.5 * cov_yy / det
    cb = cov_xy / det
    cc = -0.5 * cov_xx / det
    lop = jnp.log(op0)

    mid = 0.5 * (cov_xx + cov_yy)
    lam1 = mid + jnp.sqrt(jnp.maximum(mid * mid - det, 0.1))
    r2 = 2.0 * lam1 * (jnp.log(255.0 * op0) + CULL_SLACK)
    reach = jnp.sqrt(jnp.maximum(r2, 0.0))
    dead = r2 <= 0.0
    ylo = jnp.where(dead, jnp.inf, my - reach)
    yhi = jnp.where(dead, -jnp.inf, my + reach)

    gidf = jnp.arange(N, dtype=jnp.float32)
    zr = jnp.zeros_like(mx)
    chans_u = jnp.stack(
        [ylo, yhi, mx, my, ca, cb, cc, lop, gidf, zr,
         colors[:, 0], colors[:, 1], colors[:, 2], zr, zr, zr], axis=0)
    chans = chans_u[:, order]
    czero = jnp.zeros((NCK * 4 * K,), jnp.float32)

    geomf, colpf, cnt16 = _sc_bin(chans.reshape(-1), czero)
    geom = geomf.reshape(NBANDS, N, 8)
    colp = colpf.reshape(NBANDS, NCK, 4, K)
    cnt = cnt16[:, 0]

    ucovxx = cov_xx.reshape(N, 1)
    ucovxy = cov_xy.reshape(N, 1)
    ucovyy = cov_yy.reshape(N, 1)

    full = lambda shape: pl.BlockSpec(shape, lambda i, s: (0,) * len(shape))
    grid_spec = pltpu.PrefetchScalarGridSpec(
        num_scalar_prefetch=1,
        grid=(NBANDS,),
        in_specs=[
            pl.BlockSpec((1, N, 8), lambda i, s: (i, 0, 0)),
            pl.BlockSpec((1, NCK, 4, K), lambda i, s: (i, 0, 0, 0)),
            full((N, 1)), full((N, 1)), full((N, 1)), full((3, 1)),
        ],
        out_specs=[
            pl.BlockSpec((3, BAND_ROWS, W), lambda i, s: (0, i, 0)),
            full((N, 1)),
            pl.BlockSpec((1, N, 1), lambda i, s: (i, 0, 0)),
        ],
        scratch_shapes=[pltpu.VMEM((K, K), jnp.float32),
                        pltpu.VMEM((2, P), jnp.float32)],
    )
    color, radii, pcp = pl.pallas_call(
        _raster_kernel,
        grid_spec=grid_spec,
        out_shape=[
            jax.ShapeDtypeStruct((3, H, W), jnp.float32),
            jax.ShapeDtypeStruct((N, 1), jnp.int32),
            jax.ShapeDtypeStruct((NBANDS, N, 1), jnp.int32),
        ],
    )(cnt, geom, colp, ucovxx, ucovxy, ucovyy, background.reshape(3, 1))

    gid = geom[:, :, 6].astype(jnp.int32)
    valid = jnp.arange(N, dtype=jnp.int32)[None, :] < cnt[:, None]
    tgt = jnp.where(valid, gid, N)
    pix_covered = jnp.zeros((N,), jnp.int32).at[tgt.reshape(-1)].add(
        pcp.reshape(-1), mode="drop")
    return color, radii.reshape(N), pix_covered

# --- scband reference (transcript-rebuilt; emitter-appended) ---
"""Pipeline reference for scband-gaussian2-drasterizer-33560874451062 (READ-ONLY COPY).

The authoritative reference and input builder live on the scoring server;
editing this copy changes nothing except your own understanding.
"""

import jax, jax.numpy as jnp
import numpy as np

H = 128
W = 128
N = 2048


def setup_inputs(seed: int = 0) -> dict:
    key = jax.random.key(seed)
    ks = jax.random.split(key, 7)
    means2D = jax.random.uniform(ks[0], (N, 2), dtype=jnp.float32) * jnp.array([W, H], dtype=jnp.float32)
    colors = jax.random.uniform(ks[1], (N, 3), dtype=jnp.float32)
    opacities = jax.random.uniform(ks[2], (N, 1), dtype=jnp.float32)
    scales = jax.random.uniform(ks[3], (N, 2), dtype=jnp.float32) * 7.5 + 0.5
    rotations = jax.random.uniform(ks[4], (N,), dtype=jnp.float32) * (2.0 * np.pi)
    depths = jax.random.uniform(ks[5], (N,), dtype=jnp.float32) * 10.0
    background = jnp.zeros((3,), dtype=jnp.float32)
    return {"means2D": means2D, "colors": colors, "opacities": opacities,
            "scales": scales, "rotations": rotations, "depths": depths,
            "background": background}


def _rasterize(means2D, colors, opacities, scales, rotations, depths, background):
    # pixel centers (x, y)
    ys, xs = jnp.meshgrid(jnp.arange(H, dtype=jnp.float32) + 0.5,
                          jnp.arange(W, dtype=jnp.float32) + 0.5, indexing='ij')
    pix = jnp.stack([xs.reshape(-1), ys.reshape(-1)], axis=-1)  # [HW, 2]

    # 2D covariance from scale + rotation: Sigma = R diag(sx^2, sy^2) R^T
    a = jnp.cos(rotations)
    b = jnp.sin(rotations)
    sx2 = scales[:, 0] ** 2
    sy2 = scales[:, 1] ** 2
    cov_xx = a * a * sx2 + b * b * sy2
    cov_xy = a * b * (sx2 - sy2)
    cov_yy = b * b * sx2 + a * a * sy2
    det = jnp.maximum(cov_xx * cov_yy - cov_xy * cov_xy, 1e-8)
    conic_a = cov_yy / det
    conic_b = -cov_xy / det
    conic_c = cov_xx / det

    # per-pixel, per-gaussian falloff
    dx = pix[:, None, 0] - means2D[None, :, 0]  # [HW, N]
    dy = pix[:, None, 1] - means2D[None, :, 1]
    power = -0.5 * (conic_a[None, :] * dx * dx + conic_c[None, :] * dy * dy) - conic_b[None, :] * dx * dy
    power = jnp.minimum(power, 0.0)
    alpha = jnp.minimum(0.99, opacities[:, 0][None, :] * jnp.exp(power))
    alpha = jnp.where(alpha < 1.0 / 255.0, 0.0, alpha)

    # per-gaussian screen radius (3 sigma of max eigenvalue)
    mid = 0.5 * (cov_xx + cov_yy)
    lam1 = mid + jnp.sqrt(jnp.maximum(mid * mid - det, 0.1))
    radii = jnp.ceil(3.0 * jnp.sqrt(lam1)).astype(jnp.int32)
    pix_covered = jnp.sum(alpha > 1.0 / 255.0, axis=0).astype(jnp.int32)

    # depth sort (front-to-back) + alpha compositing
    order = jnp.argsort(depths)
    A = alpha[:, order]
    C = colors[order]
    T = jnp.cumprod(1.0 - A, axis=1)
    T_prev = jnp.concatenate([jnp.ones((A.shape[0], 1), A.dtype), T[:, :-1]], axis=1)
    w = T_prev * A
    img = w @ C + T[:, -1:] * background[None, :]
    color = img.reshape(H, W, 3).transpose(2, 0, 1)  # [3, H, W]
    return color, radii, pix_covered


def reference(means2D, colors, opacities, scales, rotations, depths, background):
    return _rasterize(means2D, colors, opacities, scales, rotations, depths, background)

if __name__ == "__main__":
    import jax
    _d = setup_inputs()
    print(jax.jit(kernel)(*tuple(_d.values())))

</pallas_src>

<mosaic_0001>
#map = affine_map<(d0, d1) -> (0)>
#map1 = affine_map<(d0, d1) -> (0, 0)>
module attributes {stable_mosaic.version = 14 : i64} {
  func.func @_sc_bin_kernel(%arg0: i32, %arg1: i32, %arg2: memref<32768xf32, #tpu.memory_space<hbm>>, %arg3: memref<8192xf32, #tpu.memory_space<hbm>>, %arg4: memref<16x16384xf32, #tpu.memory_space<hbm>>, %arg5: memref<16x8192xf32, #tpu.memory_space<hbm>>, %arg6: memref<16x16xi32, #tpu.memory_space<hbm>>, %arg7: memref<32768xf32, #tpu.memory_space<vmem>>, %arg8: memref<16384xf32, #tpu.memory_space<vmem>>, %arg9: memref<8192xf32, #tpu.memory_space<vmem>>, %arg10: memref<16xi32, #tpu.memory_space<vmem>>) attributes {dimension_semantics = [#tpu.dimension_semantics<core_parallel>, #tpu.dimension_semantics<subcore_parallel>], iteration_bounds = array<i64: 2, 16>, scalar_prefetch = 0 : i64, scratch_operands = 4 : i64, tpu.core_type = #tpu.core_type<sc_vector_subcore>, window_params = [{transform_indices = #map}, {transform_indices = #map}, {transform_indices = #map1}, {transform_indices = #map1}, {transform_indices = #map1}]} {
    %mul3A = arith.constant 2 : i32
    %mul3A_0 = arith.muli %arg1, %mul3A : i32
    %add3A = arith.addi %mul3A_0, %arg0 : i32
    %lt3A = arith.constant 16 : i32
    %lt3A_1 = arith.cmpi slt, %add3A, %lt3A : i32
    %convert_element_type3A = arith.extui %lt3A_1 : i1 to i32
    %cond3A = arith.constant 0 : i32
    %cond3A_2 = arith.cmpi ne, %convert_element_type3A, %cond3A : i32
    scf.if %cond3A_2 {
      "tpu.region"() ({
        %run_scoped3A = tpu.sem_alloc : memref<!tpu.dma_semaphore, #tpu.memory_space<semaphore_mem>>
        tpu.enqueue_dma source(%arg2 : memref<32768xf32, #tpu.memory_space<hbm>>) target(%arg7 : memref<32768xf32, #tpu.memory_space<vmem>>) target_semaphore(%run_scoped3A : memref<!tpu.dma_semaphore, #tpu.memory_space<semaphore_mem>>)
        tpu.wait_dma2 semaphore(%run_scoped3A : memref<!tpu.dma_semaphore, #tpu.memory_space<semaphore_mem>>) src(%arg2 : memref<32768xf32, #tpu.memory_space<hbm>>) dst(%arg7 : memref<32768xf32, #tpu.memory_space<vmem>>)
        tpu.yield
      }) : () -> ()
      "tpu.region"() ({
        %run_scoped3A = tpu.sem_alloc : memref<!tpu.dma_semaphore, #tpu.memory_space<semaphore_mem>>
        tpu.enqueue_dma source(%arg3 : memref<8192xf32, #tpu.memory_space<hbm>>) target(%arg9 : memref<8192xf32, #tpu.memory_space<vmem>>) target_semaphore(%run_scoped3A : memref<!tpu.dma_semaphore, #tpu.memory_space<semaphore_mem>>)
        tpu.wait_dma2 semaphore(%run_scoped3A : memref<!tpu.dma_semaphore, #tpu.memory_space<semaphore_mem>>) src(%arg3 : memref<8192xf32, #tpu.memory_space<hbm>>) dst(%arg9 : memref<8192xf32, #tpu.memory_space<vmem>>)
        tpu.yield
      }) : () -> ()
      %convert_element_type3A_3 = arith.sitofp %add3A : i32 to f32
      %mul3A_4 = arith.constant 8.000000e+00 : f32
      %mul3A_5 = arith.mulf %convert_element_type3A_3, %mul3A_4 : f32
      %add3A_6 = arith.constant 5.000000e-01 : f32
      %add3A_7 = arith.addf %mul3A_5, %add3A_6 : f32
      %add3A_8 = arith.constant 7.000000e+00 : f32
      %add3A_9 = arith.addf %add3A_7, %add3A_8 : f32
      %broadcast_in_dim3A = arith.constant 0 : i32
      %broadcast_in_dim3A_10 = vector.broadcast %broadcast_in_dim3A : i32 to vector<16xi32>
      %scan3A = arith.constant 0 : i32
      %scan3A_11 = arith.constant 128 : i32
      %scan3A_12 = arith.addi %scan3A, %scan3A_11 : i32
      %scan3A_13 = arith.constant 1 : i32
      %scan3A_14 = scf.for %scan3A_21 = %scan3A to %scan3A_12 step %scan3A_13 iter_args(%scan3A_22 = %broadcast_in_dim3A_10) -> (vector<16xi32>)  : i32 {
        %broadcast_in_dim3A_23 = arith.constant 1 : i32
        %broadcast_in_dim3A_24 = vector.broadcast %broadcast_in_dim3A_23 : i32 to vector<16xi32>
        %broadcast_in_dim3A_25 = arith.constant 0 : i32
        %broadcast_in_dim3A_26 = vector.broadcast %broadcast_in_dim3A_25 : i32 to vector<16xi32>
        %mul3A_27 = arith.constant 16 : i32
        %mul3A_28 = arith.muli %scan3A_21, %mul3A_27 : i32
        %broadcast_in_dim3A_29 = vector.broadcast %mul3A_28 : i32 to vector<16xi32>
        %iota3A_30 = tpu.iota {dimensions = array<i32: 0>} : vector<16xi32>
        %add3A_31 = arith.addi %broadcast_in_dim3A_29, %iota3A_30 : vector<16xi32>
        %gather3A = tpu.vector_load_idx %arg7[%add3A_31] : memref<32768xf32, #tpu.memory_space<vmem>>[vector<16xi32>], vector<16xf32>,
        %broadcast_in_dim3A_32 = arith.constant 2048 : i32
        %broadcast_in_dim3A_33 = vector.broadcast %broadcast_in_dim3A_32 : i32 to vector<16xi32>
        %add3A_34 = arith.addi %add3A_31, %broadcast_in_dim3A_33 : vector<16xi32>
        %gather3A_35 = tpu.vector_load_idx %arg7[%add3A_34] : memref<32768xf32, #tpu.memory_space<vmem>>[vector<16xi32>], vector<16xf32>,
        %broadcast_in_dim3A_36 = vector.broadcast %add3A_9 : f32 to vector<16xf32>
        %le3A = arith.cmpf ole, %gather3A, %broadcast_in_dim3A_36 : vector<16xf32>
        %broadcast_in_dim3A_37 = vector.broadcast %add3A_7 : f32 to vector<16xf32>
        %ge3A = arith.cmpf oge, %gather3A_35, %broadcast_in_dim3A_37 : vector<16xf32>
        %and3A = arith.andi %le3A, %ge3A : vector<16xi1>
        %select_n3A_38 = arith.select %and3A, %broadcast_in_dim3A_24, %broadcast_in_dim3A_26 : vector<16xi1>, vector<16xi32>
        %broadcast_in_dim3A_39 = arith.constant true
        %broadcast_in_dim3A_40 = vector.broadcast %broadcast_in_dim3A_39 : i1 to vector<16xi1>
        %masked_cumsum3A = tpu.scan <sum>, %select_n3A_38 masked %broadcast_in_dim3A_40 : vector<16xi32>, vector<16xi1> -> vector<16xi32>
        %add3A_41 = arith.addi %scan3A_22, %masked_cumsum3A : vector<16xi32>
        %sub3A = arith.subi %add3A_41, %broadcast_in_dim3A_24 : vector<16xi32>
        %broadcast_in_dim3A_42 = arith.constant 8 : i32
        %broadcast_in_dim3A_43 = vector.broadcast %broadcast_in_dim3A_42 : i32 to vector<16xi32>
        %mul3A_44 = arith.muli %sub3A, %broadcast_in_dim3A_43 : vector<16xi32>
        %broadcast_in_dim3A_45 = arith.constant 4096 : i32
        %broadcast_in_dim3A_46 = vector.broadcast %broadcast_in_dim3A_45 : i32 to vector<16xi32>
        %add3A_47 = arith.addi %add3A_31, %broadcast_in_dim3A_46 : vector<16xi32>
        %gather3A_48 = tpu.vector_load_idx %arg7[%add3A_47] : memref<32768xf32, #tpu.memory_space<vmem>>[vector<16xi32>], vector<16xf32>,
        %broadcast_in_dim3A_49 = arith.constant 0 : i32
        %broadcast_in_dim3A_50 = vector.broadcast %broadcast_in_dim3A_49 : i32 to vector<16xi32>
        %add3A_51 = arith.addi %mul3A_44, %broadcast_in_dim3A_50 : vector<16xi32>
        tpu.vector_store_idx %arg8[%add3A_51], %gather3A_48 masked %and3A : memref<16384xf32, #tpu.memory_space<vmem>>[vector<16xi32>], vector<16xf32>, vector<16xi1>
        %broadcast_in_dim3A_52 = arith.constant 6144 : i32
        %broadcast_in_dim3A_53 = vector.broadcast %broadcast_in_dim3A_52 : i32 to vector<16xi32>
        %add3A_54 = arith.addi %add3A_31, %broadcast_in_dim3A_53 : vector<16xi32>
        %gather3A_55 = tpu.vector_load_idx %arg7[%add3A_54] : memref<32768xf32, #tpu.memory_space<vmem>>[vector<16xi32>], vector<16xf32>,
        %broadcast_in_dim3A_56 = arith.constant 1 : i32
        %broadcast_in_dim3A_57 = vector.broadcast %broadcast_in_dim3A_56 : i32 to vector<16xi32>
        %add3A_58 = arith.addi %mul3A_44, %broadcast_in_dim3A_57 : vector<16xi32>
        tpu.vector_store_idx %arg8[%add3A_58], %gather3A_55 masked %and3A : memref<16384xf32, #tpu.memory_space<vmem>>[vector<16xi32>], vector<16xf32>, vector<16xi1>
        %broadcast_in_dim3A_59 = arith.constant 8192 : i32
        %broadcast_in_dim3A_60 = vector.broadcast %broadcast_in_dim3A_59 : i32 to vector<16xi32>
        %add3A_61 = arith.addi %add3A_31, %broadcast_in_dim3A_60 : vector<16xi32>
        %gather3A_62 = tpu.vector_load_idx %arg7[%add3A_61] : memref<32768xf32, #tpu.memory_space<vmem>>[vector<16xi32>], vector<16xf32>,
        %broadcast_in_dim3A_63 = arith.constant 2 : i32
        %broadcast_in_dim3A_64 = vector.broadcast %broadcast_in_dim3A_63 : i32 to vector<16xi32>
        %add3A_65 = arith.addi %mul3A_44, %broadcast_in_dim3A_64 : vector<16xi32>
        tpu.vector_store_idx %arg8[%add3A_65], %gather3A_62 masked %and3A : memref<16384xf32, #tpu.memory_space<vmem>>[vector<16xi32>], vector<16xf32>, vector<16xi1>
        %broadcast_in_dim3A_66 = arith.constant 10240 : i32
        %broadcast_in_dim3A_67 = vector.broadcast %broadcast_in_dim3A_66 : i32 to vector<16xi32>
        %add3A_68 = arith.addi %add3A_31, %broadcast_in_dim3A_67 : vector<16xi32>
        %gather3A_69 = tpu.vector_load_idx %arg7[%add3A_68] : memref<32768xf32, #tpu.memory_space<vmem>>[vector<16xi32>], vector<16xf32>,
        %broadcast_in_dim3A_70 = arith.constant 3 : i32
        %broadcast_in_dim3A_71 = vector.broadcast %broadcast_in_dim3A_70 : i32 to vector<16xi32>
        %add3A_72 = arith.addi %mul3A_44, %broadcast_in_dim3A_71 : vector<16xi32>
        tpu.vector_store_idx %arg8[%add3A_72], %gather3A_69 masked %and3A : memref<16384xf32, #tpu.memory_space<vmem>>[vector<16xi32>], vector<16xf32>, vector<16xi1>
        %broadcast_in_dim3A_73 = arith.constant 12288 : i32
        %broadcast_in_dim3A_74 = vector.broadcast %broadcast_in_dim3A_73 : i32 to vector<16xi32>
        %add3A_75 = arith.addi %add3A_31, %broadcast_in_dim3A_74 : vector<16xi32>
        %gather3A_76 = tpu.vector_load_idx %arg7[%add3A_75] : memref<32768xf32, #tpu.memory_space<vmem>>[vector<16xi32>], vector<16xf32>,
        %broadcast_in_dim3A_77 = arith.constant 4 : i32
        %broadcast_in_dim3A_78 = vector.broadcast %broadcast_in_dim3A_77 : i32 to vector<16xi32>
        %add3A_79 = arith.addi %mul3A_44, %broadcast_in_dim3A_78 : vector<16xi32>
        tpu.vector_store_idx %arg8[%add3A_79], %gather3A_76 masked %and3A : memref<16384xf32, #tpu.memory_space<vmem>>[vector<16xi32>], vector<16xf32>, vector<16xi1>
        %broadcast_in_dim3A_80 = arith.constant 14336 : i32
        %broadcast_in_dim3A_81 = vector.broadcast %broadcast_in_dim3A_80 : i32 to vector<16xi32>
        %add3A_82 = arith.addi %add3A_31, %broadcast_in_dim3A_81 : vector<16xi32>
        %gather3A_83 = tpu.vector_load_idx %arg7[%add3A_82] : memref<32768xf32, #tpu.memory_space<vmem>>[vector<16xi32>], vector<16xf32>,
        %broadcast_in_dim3A_84 = arith.constant 5 : i32
        %broadcast_in_dim3A_85 = vector.broadcast %broadcast_in_dim3A_84 : i32 to vector<16xi32>
        %add3A_86 = arith.addi %mul3A_44, %broadcast_in_dim3A_85 : vector<16xi32>
        tpu.vector_store_idx %arg8[%add3A_86], %gather3A_83 masked %and3A : memref<16384xf32, #tpu.memory_space<vmem>>[vector<16xi32>], vector<16xf32>, vector<16xi1>
        %broadcast_in_dim3A_87 = arith.constant 16384 : i32
        %broadcast_in_dim3A_88 = vector.broadcast %broadcast_in_dim3A_87 : i32 to vector<16xi32>
        %add3A_89 = arith.addi %add3A_31, %broadcast_in_dim3A_88 : vector<16xi32>
        %gather3A_90 = tpu.vector_load_idx %arg7[%add3A_89] : memref<32768xf32, #tpu.memory_space<vmem>>[vector<16xi32>], vector<16xf32>,
        %broadcast_in_dim3A_91 = arith.constant 6 : i32
        %broadcast_in_dim3A_92 = vector.broadcast %broadcast_in_dim3A_91 : i32 to vector<16xi32>
        %add3A_93 = arith.addi %mul3A_44, %broadcast_in_dim3A_92 : vector<16xi32>
        tpu.vector_store_idx %arg8[%add3A_93], %gather3A_90 masked %and3A : memref<16384xf32, #tpu.memory_space<vmem>>[vector<16xi32>], vector<16xf32>, vector<16xi1>
        %broadcast_in_dim3A_94 = arith.constant 18432 : i32
        %broadcast_in_dim3A_95 = vector.broadcast %broadcast_in_dim3A_94 : i32 to vector<16xi32>
        %add3A_96 = arith.addi %add3A_31, %broadcast_in_dim3A_95 : vector<16xi32>
        %gather3A_97 = tpu.vector_load_idx %arg7[%add3A_96] : memref<32768xf32, #tpu.memory_space<vmem>>[vector<16xi32>], vector<16xf32>,
        %broadcast_in_dim3A_98 = arith.constant 7 : i32
        %broadcast_in_dim3A_99 = vector.broadcast %broadcast_in_dim3A_98 : i32 to vector<16xi32>
        %add3A_100 = arith.addi %mul3A_44, %broadcast_in_dim3A_99 : vector<16xi32>
        tpu.vector_store_idx %arg8[%add3A_100], %gather3A_97 masked %and3A : memref<16384xf32, #tpu.memory_space<vmem>>[vector<16xi32>], vector<16xf32>, vector<16xi1>
        %broadcast_in_dim3A_101 = arith.constant 8 : i32
        %broadcast_in_dim3A_102 = vector.broadcast %broadcast_in_dim3A_101 : i32 to vector<16xi32>
        %shift_right_logical3A = arith.shrui %sub3A, %broadcast_in_dim3A_102 : vector<16xi32>
        %broadcast_in_dim3A_103 = arith.constant 255 : i32
        %broadcast_in_dim3A_104 = vector.broadcast %broadcast_in_dim3A_103 : i32 to vector<16xi32>
        %and3A_105 = arith.andi %sub3A, %broadcast_in_dim3A_104 : vector<16xi32>
        %broadcast_in_dim3A_106 = arith.constant 1024 : i32
        %broadcast_in_dim3A_107 = vector.broadcast %broadcast_in_dim3A_106 : i32 to vector<16xi32>
        %mul3A_108 = arith.muli %shift_right_logical3A, %broadcast_in_dim3A_107 : vector<16xi32>
        %add3A_109 = arith.addi %mul3A_108, %and3A_105 : vector<16xi32>
        %broadcast_in_dim3A_110 = arith.constant 20480 : i32
        %broadcast_in_dim3A_111 = vector.broadcast %broadcast_in_dim3A_110 : i32 to vector<16xi32>
        %add3A_112 = arith.addi %add3A_31, %broadcast_in_dim3A_111 : vector<16xi32>
        %gather3A_113 = tpu.vector_load_idx %arg7[%add3A_112] : memref<32768xf32, #tpu.memory_space<vmem>>[vector<16xi32>], vector<16xf32>,
        %broadcast_in_dim3A_114 = arith.constant 0 : i32
        %broadcast_in_dim3A_115 = vector.broadcast %broadcast_in_dim3A_114 : i32 to vector<16xi32>
        %add3A_116 = arith.addi %add3A_109, %broadcast_in_dim3A_115 : vector<16xi32>
        tpu.vector_store_idx %arg9[%add3A_116], %gather3A_113 masked %and3A : memref<8192xf32, #tpu.memory_space<vmem>>[vector<16xi32>], vector<16xf32>, vector<16xi1>
        %broadcast_in_dim3A_117 = arith.constant 22528 : i32
        %broadcast_in_dim3A_118 = vector.broadcast %broadcast_in_dim3A_117 : i32 to vector<16xi32>
        %add3A_119 = arith.addi %add3A_31, %broadcast_in_dim3A_118 : vector<16xi32>
        %gather3A_120 = tpu.vector_load_idx %arg7[%add3A_119] : memref<32768xf32, #tpu.memory_space<vmem>>[vector<16xi32>], vector<16xf32>,
        %broadcast_in_dim3A_121 = arith.constant 256 : i32
        %broadcast_in_dim3A_122 = vector.broadcast %broadcast_in_dim3A_121 : i32 to vector<16xi32>
        %add3A_123 = arith.addi %add3A_109, %broadcast_in_dim3A_122 : vector<16xi32>
        tpu.vector_store_idx %arg9[%add3A_123], %gather3A_120 masked %and3A : memref<8192xf32, #tpu.memory_space<vmem>>[vector<16xi32>], vector<16xf32>, vector<16xi1>
        %broadcast_in_dim3A_124 = arith.constant 24576 : i32
        %broadcast_in_dim3A_125 = vector.broadcast %broadcast_in_dim3A_124 : i32 to vector<16xi32>
        %add3A_126 = arith.addi %add3A_31, %broadcast_in_dim3A_125 : vector<16xi32>
        %gather3A_127 = tpu.vector_load_idx %arg7[%add3A_126] : memref<32768xf32, #tpu.memory_space<vmem>>[vector<16xi32>], vector<16xf32>,
        %broadcast_in_dim3A_128 = arith.constant 512 : i32
        %broadcast_in_dim3A_129 = vector.broadcast %broadcast_in_dim3A_128 : i32 to vector<16xi32>
        %add3A_130 = arith.addi %add3A_109, %broadcast_in_dim3A_129 : vector<16xi32>
        tpu.vector_store_idx %arg9[%add3A_130], %gather3A_127 masked %and3A : memref<8192xf32, #tpu.memory_space<vmem>>[vector<16xi32>], vector<16xf32>, vector<16xi1>
        %all_reduce_population_count3A = tpu.all_reduce %and3A {dim = 0 : i64, kind = #tpu.reduction_kind<sum>} : vector<16xi1> -> vector<16xi32>
        %add3A_131 = arith.addi %scan3A_22, %all_reduce_population_count3A : vector<16xi32>
        scf.yield %add3A_131 : vector<16xi32>
      }
      %scan3A_15 = arith.constant 128 : i32
      %iota3A = tpu.iota {dimensions = array<i32: 0>} : vector<16xi32>
      %broadcast_in_dim3A_16 = arith.constant 0 : i32
      %broadcast_in_dim3A_17 = vector.broadcast %broadcast_in_dim3A_16 : i32 to vector<16xi32>
      %eq3A = arith.cmpi eq, %iota3A, %broadcast_in_dim3A_17 : vector<16xi32>
      %broadcast_in_dim3A_18 = arith.constant 0 : i32
      %broadcast_in_dim3A_19 = vector.broadcast %broadcast_in_dim3A_18 : i32 to vector<16xi32>
      %select_n3A = arith.select %eq3A, %scan3A_14, %broadcast_in_dim3A_19 : vector<16xi1>, vector<16xi32>
      %swap3A = arith.constant 0 : index
      %swap3A_20 = tpu.vector_load %arg10[%swap3A] {strides = array<i32>} : memref<16xi32, #tpu.memory_space<vmem>>, vector<16xi32>,
      tpu.vector_store %arg10[%swap3A], %select_n3A {strides = array<i32>} : memref<16xi32, #tpu.memory_space<vmem>>, vector<16xi32>,
      "tpu.region"() ({
        %run_scoped3A = tpu.sem_alloc : memref<!tpu.dma_semaphore, #tpu.memory_space<semaphore_mem>>
        %dma_start3A = arith.constant 0 : i32
        %dma_start3A_21 = tpu.memref_slice %arg4[%add3A, %dma_start3A] : memref<16x16384xf32, #tpu.memory_space<hbm>> -> memref<1x16384xf32, #tpu.memory_space<hbm>>
        %dma_start3A_22 = tpu.memref_squeeze %dma_start3A_21 : memref<1x16384xf32, #tpu.memory_space<hbm>> -> memref<16384xf32, #tpu.memory_space<hbm>>
        %dma_start3A_23 = arith.constant 0 : i32
        %dma_start3A_24 = tpu.memref_slice %arg4[%add3A, %dma_start3A_23] : memref<16x16384xf32, #tpu.memory_space<hbm>> -> memref<1x16384xf32, #tpu.memory_space<hbm>>
        %dma_start3A_25 = tpu.memref_squeeze %dma_start3A_24 : memref<1x16384xf32, #tpu.memory_space<hbm>> -> memref<16384xf32, #tpu.memory_space<hbm>>
        tpu.enqueue_dma source(%arg8 : memref<16384xf32, #tpu.memory_space<vmem>>) target(%dma_start3A_25 : memref<16384xf32, #tpu.memory_space<hbm>>) target_semaphore(%run_scoped3A : memref<!tpu.dma_semaphore, #tpu.memory_space<semaphore_mem>>)
        %dma_wait3A = arith.constant 0 : i32
        %dma_wait3A_26 = tpu.memref_slice %arg4[%add3A, %dma_wait3A] : memref<16x16384xf32, #tpu.memory_space<hbm>> -> memref<1x16384xf32, #tpu.memory_space<hbm>>
        %dma_wait3A_27 = tpu.memref_squeeze %dma_wait3A_26 : memref<1x16384xf32, #tpu.memory_space<hbm>> -> memref<16384xf32, #tpu.memory_space<hbm>>
        %dma_wait3A_28 = arith.constant 0 : i32
        %dma_wait3A_29 = tpu.memref_slice %arg4[%add3A, %dma_wait3A_28] : memref<16x16384xf32, #tpu.memory_space<hbm>> -> memref<1x16384xf32, #tpu.memory_space<hbm>>
        %dma_wait3A_30 = tpu.memref_squeeze %dma_wait3A_29 : memref<1x16384xf32, #tpu.memory_space<hbm>> -> memref<16384xf32, #tpu.memory_space<hbm>>
        tpu.wait_dma2 semaphore(%run_scoped3A : memref<!tpu.dma_semaphore, #tpu.memory_space<semaphore_mem>>) src(%arg8 : memref<16384xf32, #tpu.memory_space<vmem>>) dst(%dma_wait3A_30 : memref<16384xf32, #tpu.memory_space<hbm>>)
        tpu.yield
      }) : () -> ()
      "tpu.region"() ({
        %run_scoped3A = tpu.sem_alloc : memref<!tpu.dma_semaphore, #tpu.memory_space<semaphore_mem>>
        %dma_start3A = arith.constant 0 : i32
        %dma_start3A_21 = tpu.memref_slice %arg5[%add3A, %dma_start3A] : memref<16x8192xf32, #tpu.memory_space<hbm>> -> memref<1x8192xf32, #tpu.memory_space<hbm>>
        %dma_start3A_22 = tpu.memref_squeeze %dma_start3A_21 : memref<1x8192xf32, #tpu.memory_space<hbm>> -> memref<8192xf32, #tpu.memory_space<hbm>>
        %dma_start3A_23 = arith.constant 0 : i32
        %dma_start3A_24 = tpu.memref_slice %arg5[%add3A, %dma_start3A_23] : memref<16x8192xf32, #tpu.memory_space<hbm>> -> memref<1x8192xf32, #tpu.memory_space<hbm>>
        %dma_start3A_25 = tpu.memref_squeeze %dma_start3A_24 : memref<1x8192xf32, #tpu.memory_space<hbm>> -> memref<8192xf32, #tpu.memory_space<hbm>>
        tpu.enqueue_dma source(%arg9 : memref<8192xf32, #tpu.memory_space<vmem>>) target(%dma_start3A_25 : memref<8192xf32, #tpu.memory_space<hbm>>) target_semaphore(%run_scoped3A : memref<!tpu.dma_semaphore, #tpu.memory_space<semaphore_mem>>)
        %dma_wait3A = arith.constant 0 : i32
        %dma_wait3A_26 = tpu.memref_slice %arg5[%add3A, %dma_wait3A] : memref<16x8192xf32, #tpu.memory_space<hbm>> -> memref<1x8192xf32, #tpu.memory_space<hbm>>
        %dma_wait3A_27 = tpu.memref_squeeze %dma_wait3A_26 : memref<1x8192xf32, #tpu.memory_space<hbm>> -> memref<8192xf32, #tpu.memory_space<hbm>>
        %dma_wait3A_28 = arith.constant 0 : i32
        %dma_wait3A_29 = tpu.memref_slice %arg5[%add3A, %dma_wait3A_28] : memref<16x8192xf32, #tpu.memory_space<hbm>> -> memref<1x8192xf32, #tpu.memory_space<hbm>>
        %dma_wait3A_30 = tpu.memref_squeeze %dma_wait3A_29 : memref<1x8192xf32, #tpu.memory_space<hbm>> -> memref<8192xf32, #tpu.memory_space<hbm>>
        tpu.wait_dma2 semaphore(%run_scoped3A : memref<!tpu.dma_semaphore, #tpu.memory_space<semaphore_mem>>) src(%arg9 : memref<8192xf32, #tpu.memory_space<vmem>>) dst(%dma_wait3A_30 : memref<8192xf32, #tpu.memory_space<hbm>>)
        tpu.yield
      }) : () -> ()
      "tpu.region"() ({
        %run_scoped3A = tpu.sem_alloc : memref<!tpu.dma_semaphore, #tpu.memory_space<semaphore_mem>>
        %dma_start3A = arith.constant 0 : i32
        %dma_start3A_21 = tpu.memref_slice %arg6[%add3A, %dma_start3A] : memref<16x16xi32, #tpu.memory_space<hbm>> -> memref<1x16xi32, #tpu.memory_space<hbm>>
        %dma_start3A_22 = tpu.memref_squeeze %dma_start3A_21 : memref<1x16xi32, #tpu.memory_space<hbm>> -> memref<16xi32, #tpu.memory_space<hbm>>
        %dma_start3A_23 = arith.constant 0 : i32
        %dma_start3A_24 = tpu.memref_slice %arg6[%add3A, %dma_start3A_23] : memref<16x16xi32, #tpu.memory_space<hbm>> -> memref<1x16xi32, #tpu.memory_space<hbm>>
        %dma_start3A_25 = tpu.memref_squeeze %dma_start3A_24 : memref<1x16xi32, #tpu.memory_space<hbm>> -> memref<16xi32, #tpu.memory_space<hbm>>
        tpu.enqueue_dma source(%arg10 : memref<16xi32, #tpu.memory_space<vmem>>) target(%dma_start3A_25 : memref<16xi32, #tpu.memory_space<hbm>>) target_semaphore(%run_scoped3A : memref<!tpu.dma_semaphore, #tpu.memory_space<semaphore_mem>>)
        %dma_wait3A = arith.constant 0 : i32
        %dma_wait3A_26 = tpu.memref_slice %arg6[%add3A, %dma_wait3A] : memref<16x16xi32, #tpu.memory_space<hbm>> -> memref<1x16xi32, #tpu.memory_space<hbm>>
        %dma_wait3A_27 = tpu.memref_squeeze %dma_wait3A_26 : memref<1x16xi32, #tpu.memory_space<hbm>> -> memref<16xi32, #tpu.memory_space<hbm>>
        %dma_wait3A_28 = arith.constant 0 : i32
        %dma_wait3A_29 = tpu.memref_slice %arg6[%add3A, %dma_wait3A_28] : memref<16x16xi32, #tpu.memory_space<hbm>> -> memref<1x16xi32, #tpu.memory_space<hbm>>
        %dma_wait3A_30 = tpu.memref_squeeze %dma_wait3A_29 : memref<1x16xi32, #tpu.memory_space<hbm>> -> memref<16xi32, #tpu.memory_space<hbm>>
        tpu.wait_dma2 semaphore(%run_scoped3A : memref<!tpu.dma_semaphore, #tpu.memory_space<semaphore_mem>>) src(%arg10 : memref<16xi32, #tpu.memory_space<vmem>>) dst(%dma_wait3A_30 : memref<16xi32, #tpu.memory_space<hbm>>)
        tpu.yield
      }) : () -> ()
    } else {
    }
    return
  }
}

module attributes {stable_mosaic.version = 14 : i64} {
  func.func @_raster_kernel(%arg0: i32, %arg1: memref<16xi32, #tpu.memory_space<smem>>, %arg2: memref<1x2048x8xf32, #tpu.memory_space<vmem>>, %arg3: memref<1x8x4x256xf32, #tpu.memory_space<vmem>>, %arg4: memref<2048x1xf32, #tpu.memory_space<vmem>>, %arg5: memref<2048x1xf32, #tpu.memory_space<vmem>>, %arg6: memref<2048x1xf32, #tpu.memory_space<vmem>>, %arg7: memref<3x1xf32, #tpu.memory_space<vmem>>, %arg8: memref<3x8x128xf32, #tpu.memory_space<vmem>>, %arg9: memref<2048x1xi32, #tpu.memory_space<vmem>>, %arg10: memref<1x2048x1xi32, #tpu.memory_space<vmem>>, %arg11: memref<256x256xf32, #tpu.memory_space<vmem>>, %arg12: memref<2x1024xf32, #tpu.memory_space<vmem>>) attributes {dimension_semantics = [#tpu.dimension_semantics<arbitrary>], iteration_bounds = array<i64: 16>, scalar_prefetch = 1 : i64, scratch_operands = 2 : i64, tpu.core_type = #tpu.core_type<tc>, window_params = [{transform_indices = @transform_0, window_bounds = array<i64: 1, 2048, 8>}, {transform_indices = @transform_1, window_bounds = array<i64: 1, 8, 4, 256>}, {pipeline_mode = #tpu.pipeline_mode<synchronous>, transform_indices = @transform_2, window_bounds = array<i64: 2048, 1>}, {pipeline_mode = #tpu.pipeline_mode<synchronous>, transform_indices = @transform_3, window_bounds = array<i64: 2048, 1>}, {pipeline_mode = #tpu.pipeline_mode<synchronous>, transform_indices = @transform_4, window_bounds = array<i64: 2048, 1>}, {pipeline_mode = #tpu.pipeline_mode<synchronous>, transform_indices = @transform_5, window_bounds = array<i64: 3, 1>}, {transform_indices = @transform_6, window_bounds = array<i64: 3, 8, 128>}, {pipeline_mode = #tpu.pipeline_mode<synchronous>, transform_indices = @transform_7, window_bounds = array<i64: 2048, 1>}, {transform_indices = @transform_8, window_bounds = array<i64: 1, 2048, 1>}]} {
    %eq3A = arith.constant 0 : i32
    %eq3A_0 = arith.cmpi eq, %arg0, %eq3A : i32
    %convert_element_type3A = arith.extui %eq3A_0 : i1 to i32
    %cond3A = arith.constant 0 : i32
    %cond3A_1 = arith.cmpi ne, %convert_element_type3A, %cond3A : i32
    scf.if %cond3A_1 {
      %get3A_92 = arith.constant 0 : index
      %get3A_93 = arith.constant 0 : index
      %get3A_94 = vector.load %arg4[%get3A_92, %get3A_93] : memref<2048x1xf32, #tpu.memory_space<vmem>>, vector<2048x1xf32>
      %get3A_95 = arith.constant 0 : index
      %get3A_96 = arith.constant 0 : index
      %get3A_97 = vector.load %arg6[%get3A_95, %get3A_96] : memref<2048x1xf32, #tpu.memory_space<vmem>>, vector<2048x1xf32>
      %mul3A_98 = arith.mulf %get3A_94, %get3A_97 : vector<2048x1xf32>
      %get3A_99 = arith.constant 0 : index
      %get3A_100 = arith.constant 0 : index
      %get3A_101 = vector.load %arg5[%get3A_99, %get3A_100] : memref<2048x1xf32, #tpu.memory_space<vmem>>, vector<2048x1xf32>
      %get3A_102 = arith.constant 0 : index
      %get3A_103 = arith.constant 0 : index
      %get3A_104 = vector.load %arg5[%get3A_102, %get3A_103] : memref<2048x1xf32, #tpu.memory_space<vmem>>, vector<2048x1xf32>
      %mul3A_105 = arith.mulf %get3A_101, %get3A_104 : vector<2048x1xf32>
      %sub3A = arith.subf %mul3A_98, %mul3A_105 : vector<2048x1xf32>
      %max3A = arith.constant 9.99999993E-9 : f32
      %max3A_106 = vector.broadcast %max3A : f32 to vector<2048x1xf32>
      %max3A_107 = arith.maximumf %sub3A, %max3A_106 : vector<2048x1xf32>
      %get3A_108 = arith.constant 0 : index
      %get3A_109 = arith.constant 0 : index
      %get3A_110 = vector.load %arg4[%get3A_108, %get3A_109] : memref<2048x1xf32, #tpu.memory_space<vmem>>, vector<2048x1xf32>
      %get3A_111 = arith.constant 0 : index
      %get3A_112 = arith.constant 0 : index
      %get3A_113 = vector.load %arg6[%get3A_111, %get3A_112] : memref<2048x1xf32, #tpu.memory_space<vmem>>, vector<2048x1xf32>
      %add3A_114 = arith.addf %get3A_110, %get3A_113 : vector<2048x1xf32>
      %mul3A_115 = arith.constant 5.000000e-01 : f32
      %mul3A_116 = vector.broadcast %mul3A_115 : f32 to vector<2048x1xf32>
      %mul3A_117 = arith.mulf %mul3A_116, %add3A_114 : vector<2048x1xf32>
      %mul3A_118 = arith.mulf %mul3A_117, %mul3A_117 : vector<2048x1xf32>
      %sub3A_119 = arith.subf %mul3A_118, %max3A_107 : vector<2048x1xf32>
      %max3A_120 = arith.constant 1.000000e-01 : f32
      %max3A_121 = vector.broadcast %max3A_120 : f32 to vector<2048x1xf32>
      %max3A_122 = arith.maximumf %sub3A_119, %max3A_121 : vector<2048x1xf32>
      %sqrt3A = math.sqrt %max3A_122 : vector<2048x1xf32>
      %add3A_123 = arith.addf %mul3A_117, %sqrt3A : vector<2048x1xf32>
      %sqrt3A_124 = math.sqrt %add3A_123 : vector<2048x1xf32>
      %mul3A_125 = arith.constant 3.000000e+00 : f32
      %mul3A_126 = vector.broadcast %mul3A_125 : f32 to vector<2048x1xf32>
      %mul3A_127 = arith.mulf %mul3A_126, %sqrt3A_124 : vector<2048x1xf32>
      %ceil3A = math.ceil %mul3A_127 : vector<2048x1xf32>
      %convert_element_type3A_128 = arith.fptosi %ceil3A : vector<2048x1xf32> to vector<2048x1xi32>
      %swap3A_129 = arith.constant 0 : index
      %swap3A_130 = arith.constant 0 : index
      %swap3A_131 = vector.load %arg9[%swap3A_129, %swap3A_130] : memref<2048x1xi32, #tpu.memory_space<vmem>>, vector<2048x1xi32>
      tpu.vector_store %arg9[%swap3A_129, %swap3A_130], %convert_element_type3A_128 {strides = array<i32>} : memref<2048x1xi32, #tpu.memory_space<vmem>>, vector<2048x1xi32>,
      %iota3A_132 = tpu.iota {dimensions = array<i32: 0>} : vector<256x256xi32>
      %iota3A_133 = tpu.iota {dimensions = array<i32: 1>} : vector<256x256xi32>
      %gt3A = arith.cmpi sgt, %iota3A_132, %iota3A_133 : vector<256x256xi32>
      %convert_element_type3A_134 = arith.extui %gt3A : vector<256x256xi1> to vector<256x256xi32>
      %convert_element_type3A_135 = arith.sitofp %convert_element_type3A_134 : vector<256x256xi32> to vector<256x256xf32>
      %swap3A_136 = arith.constant 0 : index
      %swap3A_137 = arith.constant 0 : index
      %swap3A_138 = vector.load %arg11[%swap3A_136, %swap3A_137] : memref<256x256xf32, #tpu.memory_space<vmem>>, vector<256x256xf32>
      tpu.vector_store %arg11[%swap3A_136, %swap3A_137], %convert_element_type3A_135 {strides = array<i32>} : memref<256x256xf32, #tpu.memory_space<vmem>>, vector<256x256xf32>,
      %iota3A_139 = tpu.iota {dimensions = array<i32: 1>} : vector<2x1024xi32>
      %slice3A_140 = vector.extract_strided_slice %iota3A_139 {offsets = [0, 0], sizes = [1, 1024], strides = [1, 1]} : vector<2x1024xi32> to vector<1x1024xi32>
      %jit3A = arith.constant 128 : i32
      %eq3A_141 = arith.constant 0 : i32
      %eq3A_142 = arith.cmpi eq, %jit3A, %eq3A_141 : i32
      %jit3A_143 = arith.constant 1 : i32
      %select_n3A = arith.select %eq3A_142, %jit3A_143, %jit3A : i32
      %rem3A = vector.broadcast %select_n3A : i32 to vector<1x1024xi32>
      %rem3A_144 = arith.remsi %slice3A_140, %rem3A : vector<1x1024xi32>
      %ne3A = arith.constant 0 : i32
      %ne3A_145 = vector.broadcast %ne3A : i32 to vector<1x1024xi32>
      %ne3A_146 = arith.cmpi ne, %rem3A_144, %ne3A_145 : vector<1x1024xi32>
      %lt3A = arith.constant 0 : i32
      %lt3A_147 = vector.broadcast %lt3A : i32 to vector<1x1024xi32>
      %lt3A_148 = arith.cmpi slt, %rem3A_144, %lt3A_147 : vector<1x1024xi32>
      %lt3A_149 = arith.constant 0 : i32
      %lt3A_150 = arith.cmpi slt, %select_n3A, %lt3A_149 : i32
      %ne3A_151 = vector.broadcast %lt3A_150 : i1 to vector<1x1024xi1>
      %ne3A_152 = vector.broadcast %ne3A_151 : vector<1x1024xi1> to vector<1x1024xi1>
      %ne3A_153 = arith.xori %lt3A_148, %ne3A_152 : vector<1x1024xi1>
      %and3A = arith.andi %ne3A_153, %ne3A_146 : vector<1x1024xi1>
      %add3A_154 = vector.broadcast %select_n3A : i32 to vector<1x1024xi32>
      %add3A_155 = arith.addi %rem3A_144, %add3A_154 : vector<1x1024xi32>
      %select_n3A_156 = arith.select %and3A, %add3A_155, %rem3A_144 : vector<1x1024xi1>, vector<1x1024xi32>
      %convert_element_type3A_157 = arith.sitofp %select_n3A_156 : vector<1x1024xi32> to vector<1x1024xf32>
      %add3A_158 = arith.constant 5.000000e-01 : f32
      %add3A_159 = vector.broadcast %add3A_158 : f32 to vector<1x1024xf32>
      %add3A_160 = arith.addf %convert_element_type3A_157, %add3A_159 : vector<1x1024xf32>
      %swap3A_161 = arith.constant 0 : index
      %swap3A_162 = arith.constant 0 : index
      %swap3A_163 = vector.load %arg12[%swap3A_161, %swap3A_162] : memref<2x1024xf32, #tpu.memory_space<vmem>>, vector<1x1024xf32>
      tpu.vector_store %arg12[%swap3A_161, %swap3A_162], %add3A_160 {strides = array<i32>} : memref<2x1024xf32, #tpu.memory_space<vmem>>, vector<1x1024xf32>,
      %slice3A_164 = vector.extract_strided_slice %iota3A_139 {offsets = [1, 0], sizes = [1, 1024], strides = [1, 1]} : vector<2x1024xi32> to vector<1x1024xi32>
      %jit3A_165 = arith.constant 128 : i32
      %div3A_166 = vector.broadcast %jit3A_165 : i32 to vector<1x1024xi32>
      %div3A_167 = arith.divsi %slice3A_164, %div3A_166 : vector<1x1024xi32>
      %sign3A = arith.constant 0 : i32
      %sign3A_168 = vector.broadcast %sign3A : i32 to vector<1x1024xi32>
      %sign3A_169 = arith.cmpi sgt, %slice3A_164, %sign3A_168 : vector<1x1024xi32>
      %sign3A_170 = arith.extui %sign3A_169 : vector<1x1024xi1> to vector<1x1024xi32>
      %sign3A_171 = arith.constant 0 : i32
      %sign3A_172 = vector.broadcast %sign3A_171 : i32 to vector<1x1024xi32>
      %sign3A_173 = arith.cmpi slt, %slice3A_164, %sign3A_172 : vector<1x1024xi32>
      %sign3A_174 = arith.extui %sign3A_173 : vector<1x1024xi1> to vector<1x1024xi32>
      %sign3A_175 = arith.subi %sign3A_170, %sign3A_174 : vector<1x1024xi32>
      %sign3A_176 = arith.constant 0 : i32
      %sign3A_177 = arith.cmpi sgt, %jit3A_165, %sign3A_176 : i32
      %sign3A_178 = arith.extui %sign3A_177 : i1 to i32
      %sign3A_179 = arith.constant 0 : i32
      %sign3A_180 = arith.cmpi slt, %jit3A_165, %sign3A_179 : i32
      %sign3A_181 = arith.extui %sign3A_180 : i1 to i32
      %sign3A_182 = arith.subi %sign3A_178, %sign3A_181 : i32
      %ne3A_183 = vector.broadcast %sign3A_182 : i32 to vector<1x1024xi32>
      %ne3A_184 = arith.cmpi ne, %sign3A_175, %ne3A_183 : vector<1x1024xi32>
      %rem3A_185 = vector.broadcast %jit3A_165 : i32 to vector<1x1024xi32>
      %rem3A_186 = arith.remsi %slice3A_164, %rem3A_185 : vector<1x1024xi32>
      %ne3A_187 = arith.constant 0 : i32
      %ne3A_188 = vector.broadcast %ne3A_187 : i32 to vector<1x1024xi32>
      %ne3A_189 = arith.cmpi ne, %rem3A_186, %ne3A_188 : vector<1x1024xi32>
      %and3A_190 = arith.andi %ne3A_184, %ne3A_189 : vector<1x1024xi1>
      %sub3A_191 = arith.constant 1 : i32
      %sub3A_192 = vector.broadcast %sub3A_191 : i32 to vector<1x1024xi32>
      %sub3A_193 = arith.subi %div3A_167, %sub3A_192 : vector<1x1024xi32>
      %select_n3A_194 = arith.select %and3A_190, %sub3A_193, %div3A_167 : vector<1x1024xi1>, vector<1x1024xi32>
      %convert_element_type3A_195 = arith.sitofp %select_n3A_194 : vector<1x1024xi32> to vector<1x1024xf32>
      %add3A_196 = arith.constant 5.000000e-01 : f32
      %add3A_197 = vector.broadcast %add3A_196 : f32 to vector<1x1024xf32>
      %add3A_198 = arith.addf %convert_element_type3A_195, %add3A_197 : vector<1x1024xf32>
      %swap3A_199 = arith.constant 1 : index
      %swap3A_200 = arith.constant 0 : index
      %swap3A_201 = vector.load %arg12[%swap3A_199, %swap3A_200] : memref<2x1024xf32, #tpu.memory_space<vmem>>, vector<1x1024xf32>
      tpu.vector_store %arg12[%swap3A_199, %swap3A_200], %add3A_198 {strides = array<i32>} : memref<2x1024xf32, #tpu.memory_space<vmem>>, vector<1x1024xf32>,
    } else {
    }
    %get3A = arith.constant 0 : index
    %get3A_2 = arith.constant 0 : index
    %get3A_3 = vector.load %arg12[%get3A, %get3A_2] : memref<2x1024xf32, #tpu.memory_space<vmem>>, vector<1x1024xf32>
    %get3A_4 = arith.constant 1 : index
    %get3A_5 = arith.constant 0 : index
    %get3A_6 = vector.load %arg12[%get3A_4, %get3A_5] : memref<2x1024xf32, #tpu.memory_space<vmem>>, vector<1x1024xf32>
    %mul3A = arith.constant 8 : i32
    %mul3A_7 = arith.muli %arg0, %mul3A : i32
    %convert_element_type3A_8 = arith.sitofp %mul3A_7 : i32 to f32
    %add3A = vector.broadcast %convert_element_type3A_8 : f32 to vector<1x1024xf32>
    %add3A_9 = arith.addf %get3A_6, %add3A : vector<1x1024xf32>
    %get3A_10 = arith.constant 0 : index
    %get3A_11 = arith.constant 0 : index
    %get3A_12 = vector.load %arg11[%get3A_10, %get3A_11] : memref<256x256xf32, #tpu.memory_space<vmem>>, vector<256x256xf32>
    %iota3A = tpu.iota {dimensions = array<i32: 0>} : vector<256x1xi32>
    %get3A_13 = arith.index_cast %arg0 : i32 to index
    %get3A_14 = memref.load %arg1[%get3A_13] : memref<16xi32, #tpu.memory_space<smem>>
    %add3A_15 = arith.constant 255 : i32
    %add3A_16 = arith.addi %get3A_14, %add3A_15 : i32
    %div3A = arith.constant 256 : i32
    %div3A_17 = arith.divsi %add3A_16, %div3A : i32
    %broadcast_in_dim3A = arith.constant 0.000000e+00 : f32
    %broadcast_in_dim3A_18 = vector.broadcast %broadcast_in_dim3A : f32 to vector<1x1024xf32>
    %broadcast_in_dim3A_19 = arith.constant 0.000000e+00 : f32
    %broadcast_in_dim3A_20 = vector.broadcast %broadcast_in_dim3A_19 : f32 to vector<3x1024xf32>
    %while3A = arith.constant 0 : i32
    %while3A_21 = arith.subi %div3A_17, %while3A : i32
    %while3A_22 = arith.addi %while3A, %while3A_21 : i32
    %while3A_23 = arith.constant 1 : i32
    %while3A_24 = arith.divsi %while3A_21, %while3A_23 : i32
    %while3A_25 = arith.muli %while3A_24, %while3A_23 : i32
    %while3A_26 = arith.addi %while3A, %while3A_25 : i32
    %while3A_27 = arith.constant 1 : i32
    %while3A_28:2 = scf.for %while3A_92 = %while3A to %while3A_26 step %while3A_27 iter_args(%while3A_93 = %broadcast_in_dim3A_18, %while3A_94 = %broadcast_in_dim3A_20) -> (vector<1x1024xf32>, vector<3x1024xf32>)  : i32 {
      %mul3A_95 = arith.constant 256 : i32
      %mul3A_96 = arith.muli %while3A_92, %mul3A_95 : i32
      %get3A_97 = arith.constant 0 : index
      %get3A_98 = arith.index_cast %mul3A_96 : i32 to index
      %get3A_99 = arith.constant 0 : index
      %get3A_100 = vector.load %arg2[%get3A_97, %get3A_98, %get3A_99] : memref<1x2048x8xf32, #tpu.memory_space<vmem>>, vector<1x256x8xf32>
      %get3A_101 = vector.shape_cast %get3A_100 : vector<1x256x8xf32> to vector<256x8xf32>
      %slice3A_102 = vector.extract_strided_slice %get3A_101 {offsets = [0, 0], sizes = [256, 1], strides = [1, 1]} : vector<256x8xf32> to vector<256x1xf32>
      %sub3A = vector.broadcast %get3A_3 : vector<1x1024xf32> to vector<256x1024xf32>
      %sub3A_103 = vector.broadcast %slice3A_102 : vector<256x1xf32> to vector<256x1024xf32>
      %sub3A_104 = arith.subf %sub3A, %sub3A_103 : vector<256x1024xf32>
      %slice3A_105 = vector.extract_strided_slice %get3A_101 {offsets = [0, 1], sizes = [256, 1], strides = [1, 1]} : vector<256x8xf32> to vector<256x1xf32>
      %sub3A_106 = vector.broadcast %add3A_9 : vector<1x1024xf32> to vector<256x1024xf32>
      %sub3A_107 = vector.broadcast %slice3A_105 : vector<256x1xf32> to vector<256x1024xf32>
      %sub3A_108 = arith.subf %sub3A_106, %sub3A_107 : vector<256x1024xf32>
      %slice3A_109 = vector.extract_strided_slice %get3A_101 {offsets = [0, 2], sizes = [256, 1], strides = [1, 1]} : vector<256x8xf32> to vector<256x1xf32>
      %mul3A_110 = arith.mulf %sub3A_104, %sub3A_104 : vector<256x1024xf32>
      %mul3A_111 = vector.broadcast %slice3A_109 : vector<256x1xf32> to vector<256x1024xf32>
      %mul3A_112 = arith.mulf %mul3A_111, %mul3A_110 : vector<256x1024xf32>
      %slice3A_113 = vector.extract_strided_slice %get3A_101 {offsets = [0, 4], sizes = [256, 1], strides = [1, 1]} : vector<256x8xf32> to vector<256x1xf32>
      %mul3A_114 = arith.mulf %sub3A_108, %sub3A_108 : vector<256x1024xf32>
      %mul3A_115 = vector.broadcast %slice3A_113 : vector<256x1xf32> to vector<256x1024xf32>
      %mul3A_116 = arith.mulf %mul3A_115, %mul3A_114 : vector<256x1024xf32>
      %add3A_117 = arith.addf %mul3A_112, %mul3A_116 : vector<256x1024xf32>
      %slice3A_118 = vector.extract_strided_slice %get3A_101 {offsets = [0, 3], sizes = [256, 1], strides = [1, 1]} : vector<256x8xf32> to vector<256x1xf32>
      %mul3A_119 = arith.mulf %sub3A_104, %sub3A_108 : vector<256x1024xf32>
      %mul3A_120 = vector.broadcast %slice3A_118 : vector<256x1xf32> to vector<256x1024xf32>
      %mul3A_121 = arith.mulf %mul3A_120, %mul3A_119 : vector<256x1024xf32>
      %add3A_122 = arith.addf %add3A_117, %mul3A_121 : vector<256x1024xf32>
      %min3A = arith.constant 0.000000e+00 : f32
      %min3A_123 = vector.broadcast %min3A : f32 to vector<256x1024xf32>
      %min3A_124 = arith.minimumf %add3A_122, %min3A_123 : vector<256x1024xf32>
      %slice3A_125 = vector.extract_strided_slice %get3A_101 {offsets = [0, 5], sizes = [256, 1], strides = [1, 1]} : vector<256x8xf32> to vector<256x1xf32>
      %add3A_126 = vector.broadcast %slice3A_125 : vector<256x1xf32> to vector<256x1024xf32>
      %add3A_127 = arith.addf %min3A_124, %add3A_126 : vector<256x1024xf32>
      %exp3A_128 = math.exp %add3A_127 : vector<256x1024xf32>
      %min3A_129 = arith.constant 9.900000e-01 : f32
      %min3A_130 = vector.broadcast %min3A_129 : f32 to vector<256x1024xf32>
      %min3A_131 = arith.minimumf %min3A_130, %exp3A_128 : vector<256x1024xf32>
      %gt3A = arith.constant 0.00392156886 : f32
      %gt3A_132 = vector.broadcast %gt3A : f32 to vector<256x1024xf32>
      %gt3A_133 = arith.cmpf ogt, %min3A_131, %gt3A_132 : vector<256x1024xf32>
      %add3A_134 = vector.broadcast %mul3A_96 : i32 to vector<256x1xi32>
      %add3A_135 = arith.addi %add3A_134, %iota3A : vector<256x1xi32>
      %lt3A = vector.broadcast %get3A_14 : i32 to vector<256x1xi32>
      %lt3A_136 = arith.cmpi slt, %add3A_135, %lt3A : vector<256x1xi32>
      %and3A = vector.broadcast %lt3A_136 : vector<256x1xi1> to vector<256x1024xi1>
      %and3A_137 = arith.andi %gt3A_133, %and3A : vector<256x1024xi1>
      %jit3A = arith.constant 0.000000e+00 : f32
      %broadcast_in_dim3A_138 = vector.broadcast %jit3A : f32 to vector<256x1024xf32>
      %select_n3A = arith.select %and3A_137, %min3A_131, %broadcast_in_dim3A_138 : vector<256x1024xi1>, vector<256x1024xf32>
      %convert_element_type3A_139 = arith.extui %and3A_137 : vector<256x1024xi1> to vector<256x1024xi32>
      %convert_element_type3A_140 = arith.sitofp %convert_element_type3A_139 : vector<256x1024xi32> to vector<256x1024xf32>
      %reduce_sum3A = arith.constant dense<0.000000e+00> : vector<256xf32>
      %reduce_sum3A_141 = vector.multi_reduction <add>, %convert_element_type3A_140, %reduce_sum3A [1] : vector<256x1024xf32> to vector<256xf32>
      %broadcast_in_dim3A_142 = vector.shape_cast %reduce_sum3A_141 : vector<256xf32> to vector<256x1xf32>
      %convert_element_type3A_143 = arith.fptosi %broadcast_in_dim3A_142 : vector<256x1xf32> to vector<256x1xi32>
      %swap3A_144 = arith.constant 0 : index
      %swap3A_145 = arith.index_cast %mul3A_96 : i32 to index
      %swap3A_146 = arith.constant 0 : index
      %swap3A_147 = vector.load %arg10[%swap3A_144, %swap3A_145, %swap3A_146] : memref<1x2048x1xi32, #tpu.memory_space<vmem>>, vector<1x256x1xi32>
      %swap3A_148 = vector.shape_cast %swap3A_147 : vector<1x256x1xi32> to vector<256x1xi32>
      %swap3A_149 = vector.shape_cast %convert_element_type3A_143 : vector<256x1xi32> to vector<1x256x1xi32>
      tpu.vector_store %arg10[%swap3A_144, %swap3A_145, %swap3A_146], %swap3A_149 {strides = array<i32>} : memref<1x2048x1xi32, #tpu.memory_space<vmem>>, vector<1x256x1xi32>,
      %neg3A = arith.constant 0.000000e+00 : f32
      %neg3A_150 = vector.broadcast %neg3A : f32 to vector<256x1024xf32>
      %neg3A_151 = arith.subf %neg3A_150, %select_n3A : vector<256x1024xf32>
      %log1p3A = math.log1p %neg3A_151 : vector<256x1024xf32>
      %dot_general3A = arith.constant dense<0.000000e+00> : vector<256x1024xf32>
      %dot_general3A_152 = tpu.matmul %get3A_12, %log1p3A, %dot_general3A {dimension_numbers = #tpu.dot_dimension_numbers<[1], [0], [0], [1], [0, 0, 1, 1], [], []>, transpose_lhs_hint = false} : vector<256x256xf32>, vector<256x1024xf32>, vector<256x1024xf32> -> vector<256x1024xf32>
      %add3A_153 = vector.broadcast %while3A_93 : vector<1x1024xf32> to vector<256x1024xf32>
      %add3A_154 = arith.addf %add3A_153, %dot_general3A_152 : vector<256x1024xf32>
      %exp3A_155 = math.exp %add3A_154 : vector<256x1024xf32>
      %mul3A_156 = arith.mulf %exp3A_155, %select_n3A : vector<256x1024xf32>
      %get3A_157 = arith.constant 0 : index
      %get3A_158 = arith.index_cast %while3A_92 : i32 to index
      %get3A_159 = arith.constant 0 : index
      %get3A_160 = arith.constant 0 : index
      %get3A_161 = vector.load %arg3[%get3A_157, %get3A_158, %get3A_159, %get3A_160] : memref<1x8x4x256xf32, #tpu.memory_space<vmem>>, vector<1x1x3x256xf32>
      %get3A_162 = vector.shape_cast %get3A_161 : vector<1x1x3x256xf32> to vector<3x256xf32>
      %dot_general3A_163 = arith.constant dense<0.000000e+00> : vector<3x1024xf32>
      %dot_general3A_164 = tpu.matmul %get3A_162, %mul3A_156, %dot_general3A_163 {dimension_numbers = #tpu.dot_dimension_numbers<[1], [0], [0], [1], [0, 0, 1, 1], [], []>, transpose_lhs_hint = false} : vector<3x256xf32>, vector<256x1024xf32>, vector<3x1024xf32> -> vector<3x1024xf32>
      %add3A_165 = arith.addf %while3A_94, %dot_general3A_164 : vector<3x1024xf32>
      %reduce_sum3A_166 = arith.constant dense<0.000000e+00> : vector<1024xf32>
      %reduce_sum3A_167 = vector.multi_reduction <add>, %log1p3A, %reduce_sum3A_166 [0] : vector<256x1024xf32> to vector<1024xf32>
      %broadcast_in_dim3A_168 = vector.shape_cast %reduce_sum3A_167 : vector<1024xf32> to vector<1x1024xf32>
      %add3A_169 = arith.addf %while3A_93, %broadcast_in_dim3A_168 : vector<1x1024xf32>
      scf.yield %add3A_169, %add3A_165 : vector<1x1024xf32>, vector<3x1024xf32>
    }
    %while3A_29 = arith.constant 1 : i32
    %while3A_30:2 = scf.for %while3A_92 = %while3A_26 to %while3A_22 step %while3A_29 iter_args(%while3A_93 = %while3A_28#0, %while3A_94 = %while3A_28#1) -> (vector<1x1024xf32>, vector<3x1024xf32>)  : i32 {
      %mul3A_95 = arith.constant 256 : i32
      %mul3A_96 = arith.muli %while3A_92, %mul3A_95 : i32
      %get3A_97 = arith.constant 0 : index
      %get3A_98 = arith.index_cast %mul3A_96 : i32 to index
      %get3A_99 = arith.constant 0 : index
      %get3A_100 = vector.load %arg2[%get3A_97, %get3A_98, %get3A_99] : memref<1x2048x8xf32, #tpu.memory_space<vmem>>, vector<1x256x8xf32>
      %get3A_101 = vector.shape_cast %get3A_100 : vector<1x256x8xf32> to vector<256x8xf32>
      %slice3A_102 = vector.extract_strided_slice %get3A_101 {offsets = [0, 0], sizes = [256, 1], strides = [1, 1]} : vector<256x8xf32> to vector<256x1xf32>
      %sub3A = vector.broadcast %get3A_3 : vector<1x1024xf32> to vector<256x1024xf32>
      %sub3A_103 = vector.broadcast %slice3A_102 : vector<256x1xf32> to vector<256x1024xf32>
      %sub3A_104 = arith.subf %sub3A, %sub3A_103 : vector<256x1024xf32>
      %slice3A_105 = vector.extract_strided_slice %get3A_101 {offsets = [0, 1], sizes = [256, 1], strides = [1, 1]} : vector<256x8xf32> to vector<256x1xf32>
      %sub3A_106 = vector.broadcast %add3A_9 : vector<1x1024xf32> to vector<256x1024xf32>
      %sub3A_107 = vector.broadcast %slice3A_105 : vector<256x1xf32> to vector<256x1024xf32>
      %sub3A_108 = arith.subf %sub3A_106, %sub3A_107 : vector<256x1024xf32>
      %slice3A_109 = vector.extract_strided_slice %get3A_101 {offsets = [0, 2], sizes = [256, 1], strides = [1, 1]} : vector<256x8xf32> to vector<256x1xf32>
      %mul3A_110 = arith.mulf %sub3A_104, %sub3A_104 : vector<256x1024xf32>
      %mul3A_111 = vector.broadcast %slice3A_109 : vector<256x1xf32> to vector<256x1024xf32>
      %mul3A_112 = arith.mulf %mul3A_111, %mul3A_110 : vector<256x1024xf32>
      %slice3A_113 = vector.extract_strided_slice %get3A_101 {offsets = [0, 4], sizes = [256, 1], strides = [1, 1]} : vector<256x8xf32> to vector<256x1xf32>
      %mul3A_114 = arith.mulf %sub3A_108, %sub3A_108 : vector<256x1024xf32>
      %mul3A_115 = vector.broadcast %slice3A_113 : vector<256x1xf32> to vector<256x1024xf32>
      %mul3A_116 = arith.mulf %mul3A_115, %mul3A_114 : vector<256x1024xf32>
      %add3A_117 = arith.addf %mul3A_112, %mul3A_116 : vector<256x1024xf32>
      %slice3A_118 = vector.extract_strided_slice %get3A_101 {offsets = [0, 3], sizes = [256, 1], strides = [1, 1]} : vector<256x8xf32> to vector<256x1xf32>
      %mul3A_119 = arith.mulf %sub3A_104, %sub3A_108 : vector<256x1024xf32>
      %mul3A_120 = vector.broadcast %slice3A_118 : vector<256x1xf32> to vector<256x1024xf32>
      %mul3A_121 = arith.mulf %mul3A_120, %mul3A_119 : vector<256x1024xf32>
      %add3A_122 = arith.addf %add3A_117, %mul3A_121 : vector<256x1024xf32>
      %min3A = arith.constant 0.000000e+00 : f32
      %min3A_123 = vector.broadcast %min3A : f32 to vector<256x1024xf32>
      %min3A_124 = arith.minimumf %add3A_122, %min3A_123 : vector<256x1024xf32>
      %slice3A_125 = vector.extract_strided_slice %get3A_101 {offsets = [0, 5], sizes = [256, 1], strides = [1, 1]} : vector<256x8xf32> to vector<256x1xf32>
      %add3A_126 = vector.broadcast %slice3A_125 : vector<256x1xf32> to vector<256x1024xf32>
      %add3A_127 = arith.addf %min3A_124, %add3A_126 : vector<256x1024xf32>
      %exp3A_128 = math.exp %add3A_127 : vector<256x1024xf32>
      %min3A_129 = arith.constant 9.900000e-01 : f32
      %min3A_130 = vector.broadcast %min3A_129 : f32 to vector<256x1024xf32>
      %min3A_131 = arith.minimumf %min3A_130, %exp3A_128 : vector<256x1024xf32>
      %gt3A = arith.constant 0.00392156886 : f32
      %gt3A_132 = vector.broadcast %gt3A : f32 to vector<256x1024xf32>
      %gt3A_133 = arith.cmpf ogt, %min3A_131, %gt3A_132 : vector<256x1024xf32>
      %add3A_134 = vector.broadcast %mul3A_96 : i32 to vector<256x1xi32>
      %add3A_135 = arith.addi %add3A_134, %iota3A : vector<256x1xi32>
      %lt3A = vector.broadcast %get3A_14 : i32 to vector<256x1xi32>
      %lt3A_136 = arith.cmpi slt, %add3A_135, %lt3A : vector<256x1xi32>
      %and3A = vector.broadcast %lt3A_136 : vector<256x1xi1> to vector<256x1024xi1>
      %and3A_137 = arith.andi %gt3A_133, %and3A : vector<256x1024xi1>
      %jit3A = arith.constant 0.000000e+00 : f32
      %broadcast_in_dim3A_138 = vector.broadcast %jit3A : f32 to vector<256x1024xf32>
      %select_n3A = arith.select %and3A_137, %min3A_131, %broadcast_in_dim3A_138 : vector<256x1024xi1>, vector<256x1024xf32>
      %convert_element_type3A_139 = arith.extui %and3A_137 : vector<256x1024xi1> to vector<256x1024xi32>
      %convert_element_type3A_140 = arith.sitofp %convert_element_type3A_139 : vector<256x1024xi32> to vector<256x1024xf32>
      %reduce_sum3A = arith.constant dense<0.000000e+00> : vector<256xf32>
      %reduce_sum3A_141 = vector.multi_reduction <add>, %convert_element_type3A_140, %reduce_sum3A [1] : vector<256x1024xf32> to vector<256xf32>
      %broadcast_in_dim3A_142 = vector.shape_cast %reduce_sum3A_141 : vector<256xf32> to vector<256x1xf32>
      %convert_element_type3A_143 = arith.fptosi %broadcast_in_dim3A_142 : vector<256x1xf32> to vector<256x1xi32>
      %swap3A_144 = arith.constant 0 : index
      %swap3A_145 = arith.index_cast %mul3A_96 : i32 to index
      %swap3A_146 = arith.constant 0 : index
      %swap3A_147 = vector.load %arg10[%swap3A_144, %swap3A_145, %swap3A_146] : memref<1x2048x1xi32, #tpu.memory_space<vmem>>, vector<1x256x1xi32>
      %swap3A_148 = vector.shape_cast %swap3A_147 : vector<1x256x1xi32> to vector<256x1xi32>
      %swap3A_149 = vector.shape_cast %convert_element_type3A_143 : vector<256x1xi32> to vector<1x256x1xi32>
      tpu.vector_store %arg10[%swap3A_144, %swap3A_145, %swap3A_146], %swap3A_149 {strides = array<i32>} : memref<1x2048x1xi32, #tpu.memory_space<vmem>>, vector<1x256x1xi32>,
      %neg3A = arith.constant 0.000000e+00 : f32
      %neg3A_150 = vector.broadcast %neg3A : f32 to vector<256x1024xf32>
      %neg3A_151 = arith.subf %neg3A_150, %select_n3A : vector<256x1024xf32>
      %log1p3A = math.log1p %neg3A_151 : vector<256x1024xf32>
      %dot_general3A = arith.constant dense<0.000000e+00> : vector<256x1024xf32>
      %dot_general3A_152 = tpu.matmul %get3A_12, %log1p3A, %dot_general3A {dimension_numbers = #tpu.dot_dimension_numbers<[1], [0], [0], [1], [0, 0, 1, 1], [], []>, transpose_lhs_hint = false} : vector<256x256xf32>, vector<256x1024xf32>, vector<256x1024xf32> -> vector<256x1024xf32>
      %add3A_153 = vector.broadcast %while3A_93 : vector<1x1024xf32> to vector<256x1024xf32>
      %add3A_154 = arith.addf %add3A_153, %dot_general3A_152 : vector<256x1024xf32>
      %exp3A_155 = math.exp %add3A_154 : vector<256x1024xf32>
      %mul3A_156 = arith.mulf %exp3A_155, %select_n3A : vector<256x1024xf32>
      %get3A_157 = arith.constant 0 : index
      %get3A_158 = arith.index_cast %while3A_92 : i32 to index
      %get3A_159 = arith.constant 0 : index
      %get3A_160 = arith.constant 0 : index
      %get3A_161 = vector.load %arg3[%get3A_157, %get3A_158, %get3A_159, %get3A_160] : memref<1x8x4x256xf32, #tpu.memory_space<vmem>>, vector<1x1x3x256xf32>
      %get3A_162 = vector.shape_cast %get3A_161 : vector<1x1x3x256xf32> to vector<3x256xf32>
      %dot_general3A_163 = arith.constant dense<0.000000e+00> : vector<3x1024xf32>
      %dot_general3A_164 = tpu.matmul %get3A_162, %mul3A_156, %dot_general3A_163 {dimension_numbers = #tpu.dot_dimension_numbers<[1], [0], [0], [1], [0, 0, 1, 1], [], []>, transpose_lhs_hint = false} : vector<3x256xf32>, vector<256x1024xf32>, vector<3x1024xf32> -> vector<3x1024xf32>
      %add3A_165 = arith.addf %while3A_94, %dot_general3A_164 : vector<3x1024xf32>
      %reduce_sum3A_166 = arith.constant dense<0.000000e+00> : vector<1024xf32>
      %reduce_sum3A_167 = vector.multi_reduction <add>, %log1p3A, %reduce_sum3A_166 [0] : vector<256x1024xf32> to vector<1024xf32>
      %broadcast_in_dim3A_168 = vector.shape_cast %reduce_sum3A_167 : vector<1024xf32> to vector<1x1024xf32>
      %add3A_169 = arith.addf %while3A_93, %broadcast_in_dim3A_168 : vector<1x1024xf32>
      scf.yield %add3A_169, %add3A_165 : vector<1x1024xf32>, vector<3x1024xf32>
    }
    %get3A_31 = arith.constant 0 : index
    %get3A_32 = arith.constant 0 : index
    %get3A_33 = vector.load %arg7[%get3A_31, %get3A_32] : memref<3x1xf32, #tpu.memory_space<vmem>>, vector<3x1xf32>
    %exp3A = math.exp %while3A_30#0 : vector<1x1024xf32>
    %mul3A_34 = vector.broadcast %get3A_33 : vector<3x1xf32> to vector<3x1024xf32>
    %mul3A_35 = vector.broadcast %exp3A : vector<1x1024xf32> to vector<3x1024xf32>
    %mul3A_36 = arith.mulf %mul3A_34, %mul3A_35 : vector<3x1024xf32>
    %add3A_37 = arith.addf %while3A_30#1, %mul3A_36 : vector<3x1024xf32>
    %slice3A = vector.extract_strided_slice %add3A_37 {offsets = [0, 0], sizes = [3, 128], strides = [1, 1]} : vector<3x1024xf32> to vector<3x128xf32>
    %swap3A = arith.constant 0 : index
    %swap3A_38 = arith.constant 0 : index
    %swap3A_39 = arith.constant 0 : index
    %swap3A_40 = vector.load %arg8[%swap3A, %swap3A_38, %swap3A_39] : memref<3x8x128xf32, #tpu.memory_space<vmem>>, vector<3x1x128xf32>
    %swap3A_41 = vector.shape_cast %swap3A_40 : vector<3x1x128xf32> to vector<3x128xf32>
    %swap3A_42 = vector.shape_cast %slice3A : vector<3x128xf32> to vector<3x1x128xf32>
    tpu.vector_store %arg8[%swap3A, %swap3A_38, %swap3A_39], %swap3A_42 {strides = array<i32>} : memref<3x8x128xf32, #tpu.memory_space<vmem>>, vector<3x1x128xf32>,
    %slice3A_43 = vector.extract_strided_slice %add3A_37 {offsets = [0, 128], sizes = [3, 128], strides = [1, 1]} : vector<3x1024xf32> to vector<3x128xf32>
    %swap3A_44 = arith.constant 0 : index
    %swap3A_45 = arith.constant 1 : index
    %swap3A_46 = arith.constant 0 : index
    %swap3A_47 = vector.load %arg8[%swap3A_44, %swap3A_45, %swap3A_46] : memref<3x8x128xf32, #tpu.memory_space<vmem>>, vector<3x1x128xf32>
    %swap3A_48 = vector.shape_cast %swap3A_47 : vector<3x1x128xf32> to vector<3x128xf32>
    %swap3A_49 = vector.shape_cast %slice3A_43 : vector<3x128xf32> to vector<3x1x128xf32>
    tpu.vector_store %arg8[%swap3A_44, %swap3A_45, %swap3A_46], %swap3A_49 {strides = array<i32>} : memref<3x8x128xf32, #tpu.memory_space<vmem>>, vector<3x1x128xf32>,
    %slice3A_50 = vector.extract_strided_slice %add3A_37 {offsets = [0, 256], sizes = [3, 128], strides = [1, 1]} : vector<3x1024xf32> to vector<3x128xf32>
    %swap3A_51 = arith.constant 0 : index
    %swap3A_52 = arith.constant 2 : index
    %swap3A_53 = arith.constant 0 : index
    %swap3A_54 = vector.load %arg8[%swap3A_51, %swap3A_52, %swap3A_53] : memref<3x8x128xf32, #tpu.memory_space<vmem>>, vector<3x1x128xf32>
    %swap3A_55 = vector.shape_cast %swap3A_54 : vector<3x1x128xf32> to vector<3x128xf32>
    %swap3A_56 = vector.shape_cast %slice3A_50 : vector<3x128xf32> to vector<3x1x128xf32>
    tpu.vector_store %arg8[%swap3A_51, %swap3A_52, %swap3A_53], %swap3A_56 {strides = array<i32>} : memref<3x8x128xf32, #tpu.memory_space<vmem>>, vector<3x1x128xf32>,
    %slice3A_57 = vector.extract_strided_slice %add3A_37 {offsets = [0, 384], sizes = [3, 128], strides = [1, 1]} : vector<3x1024xf32> to vector<3x128xf32>
    %swap3A_58 = arith.constant 0 : index
    %swap3A_59 = arith.constant 3 : index
    %swap3A_60 = arith.constant 0 : index
    %swap3A_61 = vector.load %arg8[%swap3A_58, %swap3A_59, %swap3A_60] : memref<3x8x128xf32, #tpu.memory_space<vmem>>, vector<3x1x128xf32>
    %swap3A_62 = vector.shape_cast %swap3A_61 : vector<3x1x128xf32> to vector<3x128xf32>
    %swap3A_63 = vector.shape_cast %slice3A_57 : vector<3x128xf32> to vector<3x1x128xf32>
    tpu.vector_store %arg8[%swap3A_58, %swap3A_59, %swap3A_60], %swap3A_63 {strides = array<i32>} : memref<3x8x128xf32, #tpu.memory_space<vmem>>, vector<3x1x128xf32>,
    %slice3A_64 = vector.extract_strided_slice %add3A_37 {offsets = [0, 512], sizes = [3, 128], strides = [1, 1]} : vector<3x1024xf32> to vector<3x128xf32>
    %swap3A_65 = arith.constant 0 : index
    %swap3A_66 = arith.constant 4 : index
    %swap3A_67 = arith.constant 0 : index
    %swap3A_68 = vector.load %arg8[%swap3A_65, %swap3A_66, %swap3A_67] : memref<3x8x128xf32, #tpu.memory_space<vmem>>, vector<3x1x128xf32>
    %swap3A_69 = vector.shape_cast %swap3A_68 : vector<3x1x128xf32> to vector<3x128xf32>
    %swap3A_70 = vector.shape_cast %slice3A_64 : vector<3x128xf32> to vector<3x1x128xf32>
    tpu.vector_store %arg8[%swap3A_65, %swap3A_66, %swap3A_67], %swap3A_70 {strides = array<i32>} : memref<3x8x128xf32, #tpu.memory_space<vmem>>, vector<3x1x128xf32>,
    %slice3A_71 = vector.extract_strided_slice %add3A_37 {offsets = [0, 640], sizes = [3, 128], strides = [1, 1]} : vector<3x1024xf32> to vector<3x128xf32>
    %swap3A_72 = arith.constant 0 : index
    %swap3A_73 = arith.constant 5 : index
    %swap3A_74 = arith.constant 0 : index
    %swap3A_75 = vector.load %arg8[%swap3A_72, %swap3A_73, %swap3A_74] : memref<3x8x128xf32, #tpu.memory_space<vmem>>, vector<3x1x128xf32>
    %swap3A_76 = vector.shape_cast %swap3A_75 : vector<3x1x128xf32> to vector<3x128xf32>
    %swap3A_77 = vector.shape_cast %slice3A_71 : vector<3x128xf32> to vector<3x1x128xf32>
    tpu.vector_store %arg8[%swap3A_72, %swap3A_73, %swap3A_74], %swap3A_77 {strides = array<i32>} : memref<3x8x128xf32, #tpu.memory_space<vmem>>, vector<3x1x128xf32>,
    %slice3A_78 = vector.extract_strided_slice %add3A_37 {offsets = [0, 768], sizes = [3, 128], strides = [1, 1]} : vector<3x1024xf32> to vector<3x128xf32>
    %swap3A_79 = arith.constant 0 : index
    %swap3A_80 = arith.constant 6 : index
    %swap3A_81 = arith.constant 0 : index
    %swap3A_82 = vector.load %arg8[%swap3A_79, %swap3A_80, %swap3A_81] : memref<3x8x128xf32, #tpu.memory_space<vmem>>, vector<3x1x128xf32>
    %swap3A_83 = vector.shape_cast %swap3A_82 : vector<3x1x128xf32> to vector<3x128xf32>
    %swap3A_84 = vector.shape_cast %slice3A_78 : vector<3x128xf32> to vector<3x1x128xf32>
    tpu.vector_store %arg8[%swap3A_79, %swap3A_80, %swap3A_81], %swap3A_84 {strides = array<i32>} : memref<3x8x128xf32, #tpu.memory_space<vmem>>, vector<3x1x128xf32>,
    %slice3A_85 = vector.extract_strided_slice %add3A_37 {offsets = [0, 896], sizes = [3, 128], strides = [1, 1]} : vector<3x1024xf32> to vector<3x128xf32>
    %swap3A_86 = arith.constant 0 : index
    %swap3A_87 = arith.constant 7 : index
    %swap3A_88 = arith.constant 0 : index
    %swap3A_89 = vector.load %arg8[%swap3A_86, %swap3A_87, %swap3A_88] : memref<3x8x128xf32, #tpu.memory_space<vmem>>, vector<3x1x128xf32>
    %swap3A_90 = vector.shape_cast %swap3A_89 : vector<3x1x128xf32> to vector<3x128xf32>
    %swap3A_91 = vector.shape_cast %slice3A_85 : vector<3x128xf32> to vector<3x1x128xf32>
    tpu.vector_store %arg8[%swap3A_86, %swap3A_87, %swap3A_88], %swap3A_91 {strides = array<i32>} : memref<3x8x128xf32, #tpu.memory_space<vmem>>, vector<3x1x128xf32>,
    return
  }
  func.func @transform_0(%arg0: i32, %arg1: memref<16xi32, #tpu.memory_space<smem>>) -> (i32, i32, i32) {
    %c0_i32 = arith.constant 0 : i32
    %c0_i32_0 = arith.constant 0 : i32
    %c0_i32_1 = arith.constant 0 : i32
    return %arg0, %c0_i32, %c0_i32_0 : i32, i32, i32
  }
  func.func @transform_1(%arg0: i32, %arg1: memref<16xi32, #tpu.memory_space<smem>>) -> (i32, i32, i32, i32) {
    %c0_i32 = arith.constant 0 : i32
    %c0_i32_0 = arith.constant 0 : i32
    %c0_i32_1 = arith.constant 0 : i32
    %c0_i32_2 = arith.constant 0 : i32
    return %arg0, %c0_i32, %c0_i32_0, %c0_i32_1 : i32, i32, i32, i32
  }
  func.func @transform_2(%arg0: i32, %arg1: memref<16xi32, #tpu.memory_space<smem>>) -> (i32, i32) {
    %c0_i32 = arith.constant 0 : i32
    %c0_i32_0 = arith.constant 0 : i32
    %c0_i32_1 = arith.constant 0 : i32
    return %c0_i32, %c0_i32_0 : i32, i32
  }
  func.func @transform_3(%arg0: i32, %arg1: memref<16xi32, #tpu.memory_space<smem>>) -> (i32, i32) {
    %c0_i32 = arith.constant 0 : i32
    %c0_i32_0 = arith.constant 0 : i32
    %c0_i32_1 = arith.constant 0 : i32
    return %c0_i32, %c0_i32_0 : i32, i32
  }
  func.func @transform_4(%arg0: i32, %arg1: memref<16xi32, #tpu.memory_space<smem>>) -> (i32, i32) {
    %c0_i32 = arith.constant 0 : i32
    %c0_i32_0 = arith.constant 0 : i32
    %c0_i32_1 = arith.constant 0 : i32
    return %c0_i32, %c0_i32_0 : i32, i32
  }
  func.func @transform_5(%arg0: i32, %arg1: memref<16xi32, #tpu.memory_space<smem>>) -> (i32, i32) {
    %c0_i32 = arith.constant 0 : i32
    %c0_i32_0 = arith.constant 0 : i32
    %c0_i32_1 = arith.constant 0 : i32
    return %c0_i32, %c0_i32_0 : i32, i32
  }
  func.func @transform_6(%arg0: i32, %arg1: memref<16xi32, #tpu.memory_space<smem>>) -> (i32, i32, i32) {
    %c0_i32 = arith.constant 0 : i32
    %c0_i32_0 = arith.constant 0 : i32
    %c0_i32_1 = arith.constant 0 : i32
    return %c0_i32, %arg0, %c0_i32_0 : i32, i32, i32
  }
  func.func @transform_7(%arg0: i32, %arg1: memref<16xi32, #tpu.memory_space<smem>>) -> (i32, i32) {
    %c0_i32 = arith.constant 0 : i32
    %c0_i32_0 = arith.constant 0 : i32
    %c0_i32_1 = arith.constant 0 : i32
    return %c0_i32, %c0_i32_0 : i32, i32
  }
  func.func @transform_8(%arg0: i32, %arg1: memref<16xi32, #tpu.memory_space<smem>>) -> (i32, i32, i32) {
    %c0_i32 = arith.constant 0 : i32
    %c0_i32_0 = arith.constant 0 : i32
    %c0_i32_1 = arith.constant 0 : i32
    return %arg0, %c0_i32, %c0_i32_0 : i32, i32, i32
  }
}

</mosaic_0001>

<sc_bundles>
// kernel: gather_offload_async_start
scs
__scs_entry_jumppad:
0x0: {  	(pc) =	sbr.rel $0x88, $3  }
0x1: {  	(tag) =	ssettag $0x0;
	lr =	simm.s32 $0x1  }
0x2: {  	[smem:$0x3F9A] =	sst lr;
	_ =	strace $0xD0000000  }
0x3: {  	_ = 	snop  }
0x4: {  	_ = 	snop  }
0x5: {  	_ = 	snop  }
0x6: {  	_ = 	snop  }
0x7: {  	_ = 	snop  }
__scs_overlays_trampoline_lowered:
0x8: {  	[smem:$0x3FA9] =	sst s0  }
0x9: {  	[smem:$0x3FAA] =	sst s1  }
0xa: {  	[smem:$0x3FAB] =	sst s2  }
0xb: {  	[smem:$0x3FAC] =	sst s3  }
0xc: {  	[smem:$0x3FAD] =	sst s4  }
0xd: {  	[smem:$0x3FAE] =	sst s5  }
0xe: {  	[smem:$0x3FAF] =	sst s6  }
0xf: {  	[smem:$0x3FB0] =	sst s7  }
0x10: {  	[smem:$0x3FB1] =	sst s8  }
0x11: {  	[smem:$0x3FB2] =	sst s9;
	s0 =	simm.s32 @!p0 $0x0  }
0x12: {  	s1 =	sld [smem:$0x3F98];
	s0 =	simm.s32 @p0 $0x1  }
0x13: {  	[smem:$0x3FB3] =	sst s0;
	s0 =	simm.s32 @!p1 $0x0  }
0x14: {  	s2 =	sld [smem:$0x3F97];
	s0 =	simm.s32 @p1 $0x1  }
0x15: {  	[smem:$0x3FB4] =	sst s0;
	s0 =	simm.s32 @!p2 $0x0  }
0x16: {  	s3 =	sld [smem:$0x3FDB];
	s0 =	simm.s32 @p2 $0x1  }
0x17: {  	s4 =	simm.s32 $0x1BF5;
	[smem:$0x3FB6] =	sst s0  }
0x18: {  	s0 =	sld [smem:$0x3F99];
	_ =	swait.ge [sflag:s4], $0x0  }
0x19: {  	s7 =	sld [smem:$0x3F9A]  }
0x1a: {  	s8 =	sadd.s32 $0xFFFFE003, lr  }
0x1b: {  	s9 =	sadd.s32 $0xFFFFFEF7, lr;
	s5 =	simm.s32 $0xFFFFFFFF;
	p2 =	slt.u32 s8, $0xFFFFF086  }
0x1c: {  	p1 =	slt.u32 s9, $0xF7A;
	s5 =	simm.s32 @!p2 $0x0  }
0x1d: {  	s5 =	simm.s32 @p1 $0x1;
	p0 =	seq.s32 s7, s2  }
0x1e: {  	s7 =	smul.u32 @!p0 $0xF7A, s2;
	p2 =	seq.s32 @!p0 s5, $0x0  }
0x1f: {  	s9 =	smul.u32 $0xF7A, s1;
	s8 =	simm.s32 @!p0 $0x1BF5;
	p2 =	por !p2, p0  }
0x20: {  	[sflag:s8] =	ssyncset.s32 @!p0 $0xFFFFF086;
	s6 =	sadd.s32 @!p0 s3, s7;
	s7 =	simm.s32 @!p0 $0x108  }
0x21: {  	s3 =	sadd.s32 s3, s9;
	s6 =	sadd.s32 @!p0 $0x88, s6;
	s7 =	simm.s32 @p2 $0x1082  }
0x22: {  	[simem:s7], [sflag:s8] =	dma.local @!p0 [hbm:s6], $0xF7A  }
0x23: {  	s9 =	sor.u32 $0xD0000000, s2;
	s6 =	simm.s32 $0x108;
	_ =	swait.ge @!p0 [sflag:s8], $0x0  }
0x24: {  	s3 =	sadd.s32 $0x88, s3;
	s6 =	simm.s32 @!p1 $0x1082;
	[sflag:s4] =	ssyncset.s32 $0xFFFFF086  }
0x25: {  	[simem:s6], [sflag:s4] =	dma.local [hbm:s3], $0xF7A  }
0x26: {  	[smem:$0x3F9A] =	sst s1;
	(tag) =	ssettag s2;
	_ =	strace s9  }
0x27: {  	s1 =	sld [smem:$0x3FAA]  }
0x28: {  	s2 =	sld [smem:$0x3FAB]  }
0x29: {  	s4 =	sld [smem:$0x3FAD]  }
0x2a: {  	p0 =	seq.s32 s5, $0x0;
	s5 =	sld [smem:$0x3FAE]  }
0x2b: {  	s6 =	sld [smem:$0x3FAF]  }
0x2c: {  	s7 =	sld [smem:$0x3FB0]  }
0x2d: {  	s3 =	simm.s32 $0x108;
	s8 =	sld [smem:$0x3FB1]  }
0x2e: {  	s3 =	simm.s32 @!p0 $0x1082;
	s9 =	sld [smem:$0x3FB2]  }
0x2f: {  	lr =	sadd.s32 s0, s3;
	s0 =	sld [smem:$0x3FA9]  }
0x30: {  	s3 =	sld [smem:$0x3FAC]  }
0x31: {  	[smem:$0x3FB5] =	sst s10  }
0x32: {  	s10 =	sld [smem:$0x3FB3];
	_ =	sdelay $0x3  }
0x33: {  	p0 =	seq.s32 s10, $0x1;
	s10 =	sld [smem:$0x3FB5];
	_ =	sdelay $0x3  }
0x34: {  	[smem:$0x3FB5] =	sst s10  }
0x35: {  	s10 =	sld [smem:$0x3FB4];
	_ =	sdelay $0x3  }
0x36: {  	p1 =	seq.s32 s10, $0x1;
	s10 =	sld [smem:$0x3FB5];
	_ =	sdelay $0x3  }
0x37: {  	[smem:$0x3FB5] =	sst s10  }
0x38: {  	s10 =	sld [smem:$0x3FB6]  }
0x39: {  	_ = 	snop;
	(pc) =	sbr.ind lr, $3  }
0x3a: {  	_ = 	snop  }
0x3b: {  	_ = 	snop  }
0x3c: {  	p2 =	seq.s32 s10, $0x1;
	s10 =	sld [smem:$0x3FB5]  }
0x3d: {  	_ =	shalt  }
0x3e: {  	_ =	shalt  }
0x3f: {  	_ =	shalt  }
0x40: {  	_ =	shalt  }
0x41: {  	_ =	shalt  }
0x42: {  	_ =	shalt  }
0x43: {  	_ =	shalt  }
0x44: {  	_ =	shalt  }
0x45: {  	_ =	shalt  }
0x46: {  	_ =	shalt  }
0x47: {  	_ =	shalt  }
0x48: {  	_ =	shalt  }
0x49: {  	_ =	shalt  }
0x4a: {  	_ =	shalt  }
0x4b: {  	_ =	shalt  }
0x4c: {  	_ =	shalt  }
0x4d: {  	_ =	shalt  }
0x4e: {  	_ =	shalt  }
0x4f: {  	_ =	shalt  }
0x50: {  	_ =	shalt  }
0x51: {  	_ =	shalt  }
0x52: {  	_ =	shalt  }
0x53: {  	_ =	shalt  }
0x54: {  	_ =	shalt  }
0x55: {  	_ =	shalt  }
0x56: {  	_ =	shalt  }
0x57: {  	_ =	shalt  }
0x58: {  	_ =	shalt  }
0x59: {  	_ =	shalt  }
0x5a: {  	_ =	shalt  }
0x5b: {  	_ =	shalt  }
0x5c: {  	_ =	shalt  }
0x5d: {  	_ =	shalt  }
0x5e: {  	_ =	shalt  }
0x5f: {  	_ =	shalt  }
0x60: {  	_ =	shalt  }
0x61: {  	_ =	shalt  }
0x62: {  	_ =	shalt  }
0x63: {  	_ =	shalt  }
0x64: {  	_ =	shalt  }
0x65: {  	_ =	shalt  }
0x66: {  	_ =	shalt  }
0x67: {  	_ =	shalt  }
0x68: {  	_ =	shalt  }
0x69: {  	_ =	shalt  }
0x6a: {  	_ =	shalt  }
0x6b: {  	_ =	shalt  }
0x6c: {  	_ =	shalt  }
0x6d: {  	_ =	shalt  }
0x6e: {  	_ =	shalt  }
0x6f: {  	_ =	shalt  }
0x70: {  	_ =	shalt  }
0x71: {  	_ =	shalt  }
0x72: {  	_ =	shalt  }
0x73: {  	_ =	shalt  }
0x74: {  	_ =	shalt  }
0x75: {  	_ =	shalt  }
0x76: {  	_ =	shalt  }
0x77: {  	_ =	shalt  }
0x78: {  	_ =	shalt  }
0x79: {  	_ =	shalt  }
0x7a: {  	_ =	shalt  }
0x7b: {  	_ =	shalt  }
0x7c: {  	_ =	shalt  }
0x7d: {  	_ =	shalt  }
0x7e: {  	_ =	shalt  }
0x7f: {  	_ =	shalt  }
0x80: {  	_ =	shalt  }
0x81: {  	_ =	shalt  }
0x82: {  	_ =	shalt  }
0x83: {  	_ =	shalt  }
0x84: {  	_ =	shalt  }
0x85: {  	_ =	shalt  }
0x86: {  	_ =	shalt  }
0x87: {  	_ =	shalt  }
.Lfunc_end0:
.L_simem_size_0:
called_computation.1_lowered:
.L_overlay_start_0:
0x88: {  	s2 =	sld [smem:$0x3FD9]  }
0x89: {  	s3 =	sld [smem:$0x3FFE];
	_ =	sdelay $0x1  }
0x8a: {  	s1 =	srdreg.scid  }
0x8b: {  	s0 =	sand.u32 $0x1, s1  }
0x8c: {  	s14 =	sshll.u32 s0, $0xA;
	s2 =	sadd.s32 s3, s2  }
0x8d: {  	s2 =	sadd.s32 s2, s14  }
0x8e: {  	[smem:$0x3FC1] =	sst s2  }
0x8f: {  	_ = 	snop  }
0x90: {  	s2 =	sld [smem:$0x3FD0];
	_ =	sdelay $0x2  }
0x91: {  	s15 =	simm.s32 $0xA;
	s4 =	simm.s32 $0x10  }
0x92: {  	[smem:s4], [sflag:s15] =	dma.local [hbm:s2], $0x1  }
0x93: {  	_ =	swait.eq [sflag:s15], $0x1  }
0x94: {  	[sflag:s15] =	ssyncset.done $0x0  }
0x95: {  	[sflag:s15] =	ssyncadd.s32 $0xFFFFFFFF  }
0x96: {  	s16 =	sld [smem:$0x12];
	(tm) =	ssettm $0x1  }
0x97: {  	s17 =	sld [smem:$0x3FFB];
	_ =	sdelay $0x3  }
0x98: {  	_ =	strace s17  }
0x99: {  	s3 =	sld [smem:$0x3FFC];
	_ =	sdelay $0x3  }
0x9a: {  	_ =	strace s3  }
0x9b: {  	s3 =	sld [smem:$0x3FFD];
	_ =	sdelay $0x3  }
0x9c: {  	_ =	strace s3  }
0x9d: {  	_ =	strace $0x8FFFFFFF  }
0x9e: {  	s18 =	sld [smem:$0x3FDB];
	_ =	sdelay $0x1  }
0x9f: {  	s19 =	simm.s32 $_scs_section_size  }
0xa0: {  	s5 =	simm.s32 $_size__tile_overlayer_lowered;
	s6 =	simm.s32 $_tile_overlayer_lowered  }
0xa1: {  	s22 =	simm.s32 $0x1BFF;
	s21 =	sshll.u32 s6, $0x1;
	s3 =	sadd.s32 s19, s18  }
0xa2: {  	s7 =	simm.s32 $0x0;
	s20 =	sshll.u32 s5, $0x1;
	s5 =	sadd.s32 s21, s3  }
0xa3: {  	[timem:s7], [sflag:s22] =	dma.local [hbm:s5], s20  }
0xa4: {  	_ =	swait.ge [sflag:s22], s20  }
0xa5: {  	s4 =	ssub.s32 $0x0, s20;
	[sflag:s22] =	ssyncset.done $0x0  }
0xa6: {  	[sflag:s22] =	ssyncadd.s32 s4;
	_ =	sdelay $0x1  }
0xa7: {  	s23 =	simm.s32 $0x1B8B  }
0xa8: {  	_ =	swait.ge [sflag:s23], $0x1  }
0xa9: {  	[sflag:s23] =	ssyncset.done $0x0  }
0xaa: {  	s25 =	simm.s32 $0x1B8E;
	s24 =	sld [smem:$0x3FFE];
	[sflag:s23] =	ssyncadd.s32 $0xFFFFFFFF  }
0xab: {  	s26 =	simm.s32 $execute0_lowered;
	[smem:$0x3FD2] =	sst s25  }
0xac: {  	s5 =	sshll.u32 s26, $0x1;
	_ =	strace $0x80000046;
	[dreg:$0x1] =	wrdreg $0xFFFFFFFF  }
0xad: {  	s28 =	simm.s32 $_size_execute0_lowered;
	s3 =	sadd.s32 s3, s5;
	[dreg:$0x0] =	wrdreg $0x0  }
0xae: {  	s5 =	sshll.u32 s28, $0x1;
	[dreg:$0x2] =	wrdreg s3  }
0xaf: {  	[dreg:$0x3] =	wrdreg s5  }
0xb0: {  	[dreg:$0x4] =	wrdreg $0xC0  }
0xb1: {  	_ =	task [dreg:s7], $0x5FFFF  }
0xb2: {  	[dreg:$0x1] =	wrdreg $0xFFFFFFFF  }
0xb3: {  	[dreg:$0x0] =	wrdreg $0x60  }
0xb4: {  	[dreg:$0x2] =	wrdreg s24  }
0xb5: {  	[dreg:$0x3] =	wrdreg s16  }
0xb6: {  	[dreg:$0x4] =	wrdreg $0x9  }
0xb7: {  	_ =	task.clear_ibuf [dreg:s7], $0x5FFFF;
	_ =	strace $0x90000046  }
0xb8: {  	s29 =	simm.s32 $0x9;
	_ =	strace $0x80000048  }
0xb9: {  	_ =	swait.ge [sflag:s29], $0x1  }
0xba: {  	[sflag:s29] =	ssyncadd.s32 $0xFFFFFFFF  }
0xbb: {  	_ =	strace $0x90000048  }
0xbc: {  	_ =	sfence  }
0xbd: {  	s30 =	sld [smem:$0x0];
	_ =	sdelay $0x2  }
0xbe: {  	s31 =	sshll.u32 s1, $0xD;
	s1 =	sshrl.u32 s1, $0x2  }
0xbf: {  	s3 =	sand.u32 $0x4000, s31;
	s1 =	sadd.s32 s1, s30  }
0xc0: {  	s0 =	sor.u32 s3, s0;
	s1 =	sshll.u32 s1, $0x11  }
0xc1: {  	s0 =	sor.u32 s1, s0  }
0xc2: {  	s0 =	sadd.s32 $0x8F2B, s0  }
0xc3: {  	[sflag:s0] =	ssyncadd.remote.s32 $0x1  }
0xc4: {  	_ =	sfence.sel $0xFFFF  }
0xc5: {  	[dreg:$0x0] =	wrdreg $0xFFFFFFFF;
	(pc) =	sbr.abs _section_cstart, $3  }
0xc6: {  	[dreg:$0x1] =	wrdreg $0xFFFFFFFF  }
0xc7: {  	_ =	task.clear_ibuf [dreg:s7], $0x2FFFF;
	_ =	strace $0x9FFFFFFF  }
0xc8: {  	(tm) =	ssettm $0x7FFFFFFF  }
0xc9: {  	_ =	shalt  }
tec
execute0_lowered:
.L_overlay_start_1:
0x0: {  	(tag) =	ssettag $0x1  }
0x1: {  	s2 =	rddreg [dreg:$0x0]  }
0x2: {  	s3 =	rddreg [dreg:$0x1]  }
0x3: {  	s0 =	rddreg [dreg:$0x2];
	s1 =	srdreg.scid;
	_ =	strace $0x80000047  }
0x4: {  	s4 =	simm.s32 $0x1;
	s9 =	simm.s32 $0x3;
	s5 =	sshll.u32 s1, $0x4  }
.Ltmp0:
0x5: {  	s1 =	stileid.u32;
	s5 =	sand.u32 $0x10, s5;
	(pc) =	sbr.rel .LBB2_1-.Ltmp0, $4  }
0x6: {  	s12 =	simm.s32 $0x0;
	s10 =	simm.s32 $0x0;
	s6 =	sor.u32 s1, s5  }
0x7: {  	[sflag:s4] =	ssyncpa.u1 $0x0;
	s5 =	simm.s32 $0x2;
	s6 =	sshll.u32 s6, $0x6  }
0x8: {  	s7 =	sadd.s32 $0x8000, s2;
	[sflag:s5] =	ssyncpa.u1 $0x0;
	s8 =	sadd.s32 $0x40, s6  }
0x9: {  	vm0 =	vmmov $0xff;
	vm1 =	vcmask $0x3F20;
	[sflag:s9] =	ssyncpa.u1 $0x0;
	s9 =	simm.s32 $0x40;
	s11 =	smov.u32 s6  }
.LBB2_9:
0xa: {  	p0 =	seq.s32 s10, $0x2  }
.Ltmp1:
0xb: {  	_ = 	snop;
	(pc) =	sbr.rel @p0 .LBB2_11-.Ltmp1, $1  }
0xc: {  	_ =	sdelay $0x3  }
.LBB2_10:
0xd: {  	s12 =	sadd.s32 $0x40, s11  }
0xe: {  	s13 =	smov.u32 s6;
	p0 =	slt.s32 s12, s8  }
0xf: {  	s13 =	smov.u32 @p0 s12  }
0x10: {  	s10 =	sadd.s32 $0x1, s10;
	s12 =	smov.u32 s11;
	s11 =	smov.u32 s13  }
.LBB2_1:
0x11: {  	p0 =	sne.s32 s10, $0x0  }
.Ltmp2:
0x12: {  	_ = 	snop;
	(pc) =	sbr.rel @!p0 .LBB2_2-.Ltmp2, $1  }
0x13: {  	_ =	sdelay $0x3  }
0x14: {  	s13 =	sand.u32 $0x1, s10  }
0x15: {  	p0 =	seq.s32 s13, $0x0  }
.Ltmp3:
0x16: {  	_ = 	snop;
	(pc) =	sbr.rel @p0 .LBB2_9-.Ltmp3, $1  }
0x17: {  	_ =	sdelay $0x3  }
0x18: {  	_ =	swait.ge [sflag:s5], $0x40  }
0x19: {  	[sflag:s5] =	ssyncset.done $0x0  }
0x1a: {  	s13 =	simm.s32 $0x0;
	[sflag:s5] =	ssyncadd.s32 $0xFFFFFFC0  }
0x1b: {  	v0 =	vld.msk [tilespmem:s13+$0x40 ss:$0x1], $0xffff;
	_ =	sdelay $0x4  }
0x1c: {  	vm2 =	vgt.s32 v0, $0x0  }
0x1d: {  	v0 =	vnsel vm2, $0x0, v0  }
0x1e: {  	v0 =	vmin.u32 v0, $0x7FF  }
0x1f: {  	v0 =	vshll.u32 v0, $0x4;
	_ =	sdelay $0x3  }
0x20: {  	s13 =	simm.s32 $0x2080  }
0x21: {  	[tilespmem:s13], [sflag:$0x1] =	stream.indirect_vreg.gather [hbm:s2], $0x80, v0, vm0, $0x38;
	[tilespmem:$0x4080] =	vst v63  }
0x22: {  	s14 =	simm.s32 $0x2480;
	s31 =	simm.s32 $0x10  }
0x23: {  	[tilespmem:s14], [sflag:$0x1] =	stream.indirect_vreg.gather [hbm:s2], $0x80, v0, vm1, $0x38;
	[tilespmem:$0x4080] =	vst v63  }
0x24: {  	s14 =	simm.s32 $0x80;
	v0 =	vld.msk [tilespmem:s31+$0x40 ss:$0x1], $0xffff  }
.LBB2_5:
0x25: {  	p0 =	sne.s32 s14, $0xC0;
	_ =	sdelay $0x4  }
0x26: {  	vm2 =	vgt.s32 v0, $0x0  }
0x27: {  	v0 =	vnsel vm2, $0x0, v0  }
0x28: {  	v0 =	vmin.u32 v0, $0x7FF  }
0x29: {  	v0 =	vshll.u32 v0, $0x4;
	_ =	sdelay $0x3  }
.Ltmp4:
0x2a: {  	s13 =	sadd.s32 $0x800, s13;
	(pc) =	sbr.rel @p0 .LBB2_5-.Ltmp4, $4  }
0x2b: {  	[tilespmem:s13], [sflag:$0x1] =	stream.indirect_vreg.gather [hbm:s2], $0x80, v0, vm0, $0x38;
	[tilespmem:$0x4080] =	vst v63  }
0x2c: {  	s15 =	sshra.s32 s14, $0x2;
	s16 =	sadd.s32 $0x400, s13  }
0x2d: {  	[tilespmem:s16], [sflag:$0x1] =	stream.indirect_vreg.gather [hbm:s2], $0x80, v0, vm1, $0x38;
	[tilespmem:$0x4080] =	vst v63  }
0x2e: {  	s14 =	sadd.s32 $0x40, s14;
	v0 =	vld.msk [tilespmem:s15+$0x40 ss:$0x1], $0xffff  }
0x2f: {  	_ =	sdelay $0x3  }
0x30: {  	vm2 =	vgt.s32 v0, $0x0  }
0x31: {  	v0 =	vnsel vm2, $0x0, v0  }
0x32: {  	v0 =	vmin.u32 v0, $0x7FF  }
0x33: {  	v0 =	vshll.u32 v0, $0x4;
	_ =	sdelay $0x3  }
0x34: {  	s13 =	sadd.s32 $0x800, s13  }
0x35: {  	[tilespmem:s13], [sflag:$0x1] =	stream.indirect_vreg.gather [hbm:s2], $0x80, v0, vm0, $0x38;
	[tilespmem:$0x4080] =	vst v63  }
0x36: {  	s13 =	sadd.s32 $0x400, s13  }
0x37: {  	[tilespmem:s13], [sflag:$0x1] =	stream.indirect_vreg.gather [hbm:s2], $0x80, v0, vm1, $0x38;
	[tilespmem:$0x4080] =	vst v63  }
0x38: {  	s12 =	sshll.u32 s12, $0x4;
	s14 =	simm.s32 $0x80;
	_ =	swait.ge [sflag:s4], $0x2000  }
0x39: {  	s15 =	simm.s32 $0x2480;
	s12 =	sadd.s32 s12, s7;
	[sflag:s4] =	ssyncset.done $0x0  }
0x3a: {  	s16 =	sadd.s32 $0x0, s12;
	s13 =	simm.s32 $0x2080;
	[sflag:s4] =	ssyncadd.s32 $0xFFFFE000  }
.LBB2_7:
0x3b: {  	[hbm:s16] =	stream.linear.scatter [tilespmem:s13], [sflag:$0x3], $0x400, $0x38;
	[tilespmem:$0x4080] =	vst v63  }
0x3c: {  	s16 =	smov.u32 s14;
	s13 =	smov.u32 s15;
	p0 =	sne.s32 s14, $0x380  }
.Ltmp5:
0x3d: {  	s14 =	sadd.s32 $0x80, s14;
	(pc) =	sbr.rel @p0 .LBB2_7-.Ltmp5, $2  }
0x3e: {  	_ =	sdelay $0x2  }
0x3f: {  	s15 =	sadd.s32 $0x400, s15;
	s16 =	sadd.s32 s16, s12  }
.Ltmp6:
0x40: {  	(pc) =	sbr.rel .LBB2_9-.Ltmp6, $2  }
0x41: {  	_ =	sdelay $0x2  }
0x42: {  	[hbm:s16] =	stream.linear.scatter [tilespmem:s13], [sflag:$0x3], $0x400, $0x38;
	[tilespmem:$0x4080] =	vst v63  }
.LBB2_2:
.Ltmp7:
0x43: {  	(pc) =	sbr.rel .LBB2_10-.Ltmp7, $4  }
0x44: {  	_ = 	snop  }
0x45: {  	s12 =	sshrl.u32 s11, $0x3  }
0x46: {  	s13 =	sand.u32 $0x7, s11;
	s12 =	sadd.s32 s3, s12  }
0x47: {  	[tilespmem:s9], [sflag:$0x2] =	stream.linear.gather [hbm4b:s12+s13], $0x40, $0x38;
	[tilespmem:$0x4080] =	vst v63  }
.LBB2_11:
0x48: {  	s2 =	simm.s32 $0x3  }
0x49: {  	_ =	swait.ge [sflag:s2], $0x2000  }
0x4a: {  	[sflag:s2] =	ssyncset.done $0x0  }
0x4b: {  	[sflag:s2] =	ssyncadd.s32 $0xFFFFE000  }
0x4c: {  	_ =	sfence.sel $0x180000  }
0x4d: {  	s3 =	simm.s32 $0x2;
	[bflag:$0x0] =	sbarrier.arrive $0xFFFF  }
0x4e: {  	[sflag:s3] =	ssyncpa.u1 $0x1  }
0x4f: {  	s31 =	simm.s32 $0x1;
	[sflag:s2] =	ssyncpa.u1 $0x1  }
0x50: {  	[sflag:s31] =	ssyncpa.u1 $0x1  }
0x51: {  	p0 =	sne.s32 s1, $0x0;
	_ =	strace $0x90000047  }
0x52: {  	s0 =	sadd.s32 @!p0 $0x100000, s0;
	[bflag:$0x2] =	sbarrier.arrive $0xFFFF  }
0x53: {  	[sflag:s0] =	ssyncadd.tile.s32 @!p0 $0x1;
	_ =	shalt  }
.Lfunc_end2:
_tile_overlayer_lowered:
.L_overlay_start_2:
0x54: {  	(tag) =	ssettag $0x2  }
0x55: {  	s0 =	rddreg [dreg:$0x0];
	s2 =	stileid.u32  }
0x56: {  	s1 =	rddreg [dreg:$0x1];
	p0 =	sne.s32 s2, $0x0  }
0x57: {  	s3 =	rddreg [dreg:$0x2];
	[bflag:$0x3] =	sbarrier.arrive $0xFFFF;
	s2 =	simm.s32 @!p0 $0x1C01  }
0x58: {  	[timem:s3], [sflag:s2] =	dma.local @!p0 [hbm:s0], s1  }
0x59: {  	s0 =	simm.s32 @!p0 $0x1  }
0x5a: {  	_ =	swait.ge @!p0 [sflag:s0], s1  }
0x5b: {  	s1 =	ssub.s32 @!p0 $0x0, s1;
	[sflag:s0] =	ssyncset.done @!p0 $0x0  }
0x5c: {  	[sflag:s0] =	ssyncadd.s32 @!p0 s1  }
0x5d: {  	[bflag:$0x3] =	sbarrier.arrive $0xFFFF  }
0x5e: {  	_ =	shalt  }

// kernel: kernel.4.cloned.1.call-start
scs
__scs_entry_jumppad:
0x0: {  	(pc) =	sbr.rel $0x88, $3  }
0x1: {  	(tag) =	ssettag $0x0;
	lr =	simm.s32 $0x1  }
0x2: {  	[smem:$0x3F9A] =	sst lr;
	_ =	strace $0xD0000000  }
0x3: {  	_ = 	snop  }
0x4: {  	_ = 	snop  }
0x5: {  	_ = 	snop  }
0x6: {  	_ = 	snop  }
0x7: {  	_ = 	snop  }
__scs_overlays_trampoline_lowered:
0x8: {  	[smem:$0x3FA9] =	sst s0  }
0x9: {  	[smem:$0x3FAA] =	sst s1  }
0xa: {  	[smem:$0x3FAB] =	sst s2  }
0xb: {  	[smem:$0x3FAC] =	sst s3  }
0xc: {  	[smem:$0x3FAD] =	sst s4  }
0xd: {  	[smem:$0x3FAE] =	sst s5  }
0xe: {  	[smem:$0x3FAF] =	sst s6  }
0xf: {  	[smem:$0x3FB0] =	sst s7  }
0x10: {  	[smem:$0x3FB1] =	sst s8  }
0x11: {  	[smem:$0x3FB2] =	sst s9;
	s0 =	simm.s32 @!p0 $0x0  }
0x12: {  	s1 =	sld [smem:$0x3F98];
	s0 =	simm.s32 @p0 $0x1  }
0x13: {  	[smem:$0x3FB3] =	sst s0;
	s0 =	simm.s32 @!p1 $0x0  }
0x14: {  	s2 =	sld [smem:$0x3F97];
	s0 =	simm.s32 @p1 $0x1  }
0x15: {  	[smem:$0x3FB4] =	sst s0;
	s0 =	simm.s32 @!p2 $0x0  }
0x16: {  	s3 =	sld [smem:$0x3FDB];
	s0 =	simm.s32 @p2 $0x1  }
0x17: {  	s4 =	simm.s32 $0x1BF5;
	[smem:$0x3FB6] =	sst s0  }
0x18: {  	s0 =	sld [smem:$0x3F99];
	_ =	swait.ge [sflag:s4], $0x0  }
0x19: {  	s7 =	sld [smem:$0x3F9A]  }
0x1a: {  	s8 =	sadd.s32 $0xFFFFE003, lr  }
0x1b: {  	s9 =	sadd.s32 $0xFFFFFEF7, lr;
	s5 =	simm.s32 $0xFFFFFFFF;
	p2 =	slt.u32 s8, $0xFFFFF086  }
0x1c: {  	p1 =	slt.u32 s9, $0xF7A;
	s5 =	simm.s32 @!p2 $0x0  }
0x1d: {  	s5 =	simm.s32 @p1 $0x1;
	p0 =	seq.s32 s7, s2  }
0x1e: {  	s7 =	smul.u32 @!p0 $0xF7A, s2;
	p2 =	seq.s32 @!p0 s5, $0x0  }
0x1f: {  	s9 =	smul.u32 $0xF7A, s1;
	s8 =	simm.s32 @!p0 $0x1BF5;
	p2 =	por !p2, p0  }
0x20: {  	[sflag:s8] =	ssyncset.s32 @!p0 $0xFFFFF086;
	s6 =	sadd.s32 @!p0 s3, s7;
	s7 =	simm.s32 @!p0 $0x108  }
0x21: {  	s3 =	sadd.s32 s3, s9;
	s6 =	sadd.s32 @!p0 $0x88, s6;
	s7 =	simm.s32 @p2 $0x1082  }
0x22: {  	[simem:s7], [sflag:s8] =	dma.local @!p0 [hbm:s6], $0xF7A  }
0x23: {  	s9 =	sor.u32 $0xD0000000, s2;
	s6 =	simm.s32 $0x108;
	_ =	swait.ge @!p0 [sflag:s8], $0x0  }
0x24: {  	s3 =	sadd.s32 $0x88, s3;
	s6 =	simm.s32 @!p1 $0x1082;
	[sflag:s4] =	ssyncset.s32 $0xFFFFF086  }
0x25: {  	[simem:s6], [sflag:s4] =	dma.local [hbm:s3], $0xF7A  }
0x26: {  	[smem:$0x3F9A] =	sst s1;
	(tag) =	ssettag s2;
	_ =	strace s9  }
0x27: {  	s1 =	sld [smem:$0x3FAA]  }
0x28: {  	s2 =	sld [smem:$0x3FAB]  }
0x29: {  	s4 =	sld [smem:$0x3FAD]  }
0x2a: {  	p0 =	seq.s32 s5, $0x0;
	s5 =	sld [smem:$0x3FAE]  }
0x2b: {  	s6 =	sld [smem:$0x3FAF]  }
0x2c: {  	s7 =	sld [smem:$0x3FB0]  }
0x2d: {  	s3 =	simm.s32 $0x108;
	s8 =	sld [smem:$0x3FB1]  }
0x2e: {  	s3 =	simm.s32 @!p0 $0x1082;
	s9 =	sld [smem:$0x3FB2]  }
0x2f: {  	lr =	sadd.s32 s0, s3;
	s0 =	sld [smem:$0x3FA9]  }
0x30: {  	s3 =	sld [smem:$0x3FAC]  }
0x31: {  	[smem:$0x3FB5] =	sst s10  }
0x32: {  	s10 =	sld [smem:$0x3FB3];
	_ =	sdelay $0x3  }
0x33: {  	p0 =	seq.s32 s10, $0x1;
	s10 =	sld [smem:$0x3FB5];
	_ =	sdelay $0x3  }
0x34: {  	[smem:$0x3FB5] =	sst s10  }
0x35: {  	s10 =	sld [smem:$0x3FB4];
	_ =	sdelay $0x3  }
0x36: {  	p1 =	seq.s32 s10, $0x1;
	s10 =	sld [smem:$0x3FB5];
	_ =	sdelay $0x3  }
0x37: {  	[smem:$0x3FB5] =	sst s10  }
0x38: {  	s10 =	sld [smem:$0x3FB6]  }
0x39: {  	_ = 	snop;
	(pc) =	sbr.ind lr, $3  }
0x3a: {  	_ = 	snop  }
0x3b: {  	_ = 	snop  }
0x3c: {  	p2 =	seq.s32 s10, $0x1;
	s10 =	sld [smem:$0x3FB5]  }
0x3d: {  	_ =	shalt  }
0x3e: {  	_ =	shalt  }
0x3f: {  	_ =	shalt  }
0x40: {  	_ =	shalt  }
0x41: {  	_ =	shalt  }
0x42: {  	_ =	shalt  }
0x43: {  	_ =	shalt  }
0x44: {  	_ =	shalt  }
0x45: {  	_ =	shalt  }
0x46: {  	_ =	shalt  }
0x47: {  	_ =	shalt  }
0x48: {  	_ =	shalt  }
0x49: {  	_ =	shalt  }
0x4a: {  	_ =	shalt  }
0x4b: {  	_ =	shalt  }
0x4c: {  	_ =	shalt  }
0x4d: {  	_ =	shalt  }
0x4e: {  	_ =	shalt  }
0x4f: {  	_ =	shalt  }
0x50: {  	_ =	shalt  }
0x51: {  	_ =	shalt  }
0x52: {  	_ =	shalt  }
0x53: {  	_ =	shalt  }
0x54: {  	_ =	shalt  }
0x55: {  	_ =	shalt  }
0x56: {  	_ =	shalt  }
0x57: {  	_ =	shalt  }
0x58: {  	_ =	shalt  }
0x59: {  	_ =	shalt  }
0x5a: {  	_ =	shalt  }
0x5b: {  	_ =	shalt  }
0x5c: {  	_ =	shalt  }
0x5d: {  	_ =	shalt  }
0x5e: {  	_ =	shalt  }
0x5f: {  	_ =	shalt  }
0x60: {  	_ =	shalt  }
0x61: {  	_ =	shalt  }
0x62: {  	_ =	shalt  }
0x63: {  	_ =	shalt  }
0x64: {  	_ =	shalt  }
0x65: {  	_ =	shalt  }
0x66: {  	_ =	shalt  }
0x67: {  	_ =	shalt  }
0x68: {  	_ =	shalt  }
0x69: {  	_ =	shalt  }
0x6a: {  	_ =	shalt  }
0x6b: {  	_ =	shalt  }
0x6c: {  	_ =	shalt  }
0x6d: {  	_ =	shalt  }
0x6e: {  	_ =	shalt  }
0x6f: {  	_ =	shalt  }
0x70: {  	_ =	shalt  }
0x71: {  	_ =	shalt  }
0x72: {  	_ =	shalt  }
0x73: {  	_ =	shalt  }
0x74: {  	_ =	shalt  }
0x75: {  	_ =	shalt  }
0x76: {  	_ =	shalt  }
0x77: {  	_ =	shalt  }
0x78: {  	_ =	shalt  }
0x79: {  	_ =	shalt  }
0x7a: {  	_ =	shalt  }
0x7b: {  	_ =	shalt  }
0x7c: {  	_ =	shalt  }
0x7d: {  	_ =	shalt  }
0x7e: {  	_ =	shalt  }
0x7f: {  	_ =	shalt  }
0x80: {  	_ =	shalt  }
0x81: {  	_ =	shalt  }
0x82: {  	_ =	shalt  }
0x83: {  	_ =	shalt  }
0x84: {  	_ =	shalt  }
0x85: {  	_ =	shalt  }
0x86: {  	_ =	shalt  }
0x87: {  	_ =	shalt  }
.Lfunc_end0:
.L_simem_size_0:
called_computation.2_lowered:
.L_overlay_start_0:
0x88: {  	s2 =	sld [smem:$0x3FD9]  }
0x89: {  	s3 =	sld [smem:$0x3FFE];
	_ =	sdelay $0x1  }
0x8a: {  	s1 =	srdreg.scid  }
0x8b: {  	s0 =	sand.u32 $0x1, s1  }
0x8c: {  	s14 =	sshll.u32 s0, $0xA;
	s2 =	sadd.s32 s3, s2  }
0x8d: {  	s2 =	sadd.s32 s2, s14  }
0x8e: {  	[smem:$0x3FC1] =	sst s2  }
0x8f: {  	_ = 	snop  }
0x90: {  	s2 =	sld [smem:$0x3FD0];
	_ =	sdelay $0x2  }
0x91: {  	s15 =	simm.s32 $0xA;
	s4 =	simm.s32 $0x10  }
0x92: {  	[smem:s4], [sflag:s15] =	dma.local [hbm:s2], $0x1  }
0x93: {  	_ =	swait.eq [sflag:s15], $0x1  }
0x94: {  	[sflag:s15] =	ssyncset.done $0x0  }
0x95: {  	s16 =	sld [smem:$0x10];
	[sflag:s15] =	ssyncadd.s32 $0xFFFFFFFF  }
0x96: {  	s17 =	sld [smem:$0x12];
	(tm) =	ssettm $0x1  }
0x97: {  	s18 =	sld [smem:$0x3FFB];
	_ =	sdelay $0x3  }
0x98: {  	_ =	strace s18  }
0x99: {  	s4 =	sld [smem:$0x3FFC];
	_ =	sdelay $0x3  }
0x9a: {  	_ =	strace s4  }
0x9b: {  	s4 =	sld [smem:$0x3FFD];
	_ =	sdelay $0x3  }
0x9c: {  	_ =	strace s4  }
0x9d: {  	_ =	strace $0x8FFFFFFF  }
0x9e: {  	s19 =	sld [smem:$0x3FDB];
	_ =	sdelay $0x1  }
0x9f: {  	s5 =	simm.s32 $_scs_section_size  }
0xa0: {  	s6 =	simm.s32 $_size__tile_overlayer_lowered;
	s7 =	simm.s32 $_tile_overlayer_lowered  }
0xa1: {  	s22 =	simm.s32 $0x1BFF;
	s21 =	sshll.u32 s7, $0x1;
	s4 =	sadd.s32 s5, s19  }
0xa2: {  	s8 =	simm.s32 $0x0;
	s20 =	sshll.u32 s6, $0x1;
	s6 =	sadd.s32 s21, s4  }
0xa3: {  	[timem:s8], [sflag:s22] =	dma.local [hbm:s6], s20  }
0xa4: {  	_ =	swait.ge [sflag:s22], s20  }
0xa5: {  	s5 =	ssub.s32 $0x0, s20;
	[sflag:s22] =	ssyncset.done $0x0  }
0xa6: {  	[sflag:s22] =	ssyncadd.s32 s5;
	_ =	sdelay $0x1  }
0xa7: {  	s23 =	simm.s32 $0x1B8B  }
0xa8: {  	_ =	swait.ge [sflag:s23], $0x1  }
0xa9: {  	[sflag:s23] =	ssyncset.done $0x0  }
0xaa: {  	s25 =	simm.s32 $0x1B8E;
	s24 =	sld [smem:$0x3FFE];
	[sflag:s23] =	ssyncadd.s32 $0xFFFFFFFF  }
0xab: {  	s26 =	simm.s32 $execute0_lowered;
	[smem:$0x3FD2] =	sst s25  }
0xac: {  	s6 =	sshll.u32 s26, $0x1;
	_ =	strace $0x80000049;
	[dreg:$0x1] =	wrdreg $0xFFFFFFFF  }
0xad: {  	s28 =	simm.s32 $_size_execute0_lowered;
	s4 =	sadd.s32 s4, s6;
	[dreg:$0x0] =	wrdreg $0x0  }
0xae: {  	s6 =	sshll.u32 s28, $0x1;
	[dreg:$0x2] =	wrdreg s4  }
0xaf: {  	[dreg:$0x3] =	wrdreg s6  }
0xb0: {  	[dreg:$0x4] =	wrdreg $0xC0  }
0xb1: {  	_ =	task [dreg:s8], $0x5FFFF  }
0xb2: {  	[dreg:$0x1] =	wrdreg $0xFFFFFFFF  }
0xb3: {  	[dreg:$0x0] =	wrdreg $0x60  }
0xb4: {  	[dreg:$0x2] =	wrdreg s16  }
0xb5: {  	[dreg:$0x3] =	wrdreg s24  }
0xb6: {  	[dreg:$0x4] =	wrdreg s17  }
0xb7: {  	[dreg:$0x5] =	wrdreg $0x9  }
0xb8: {  	_ =	task.clear_ibuf [dreg:s8], $0x6FFFF;
	_ =	strace $0x90000049  }
0xb9: {  	s29 =	simm.s32 $0x9;
	_ =	strace $0x8000004B  }
0xba: {  	_ =	swait.ge [sflag:s29], $0x1  }
0xbb: {  	[sflag:s29] =	ssyncadd.s32 $0xFFFFFFFF  }
0xbc: {  	_ =	strace $0x9000004B  }
0xbd: {  	_ =	sfence  }
0xbe: {  	s30 =	sld [smem:$0x0];
	_ =	sdelay $0x2  }
0xbf: {  	s31 =	sshll.u32 s1, $0xD;
	s1 =	sshrl.u32 s1, $0x2  }
0xc0: {  	s3 =	sand.u32 $0x4000, s31;
	s1 =	sadd.s32 s1, s30  }
0xc1: {  	s0 =	sor.u32 s3, s0;
	s1 =	sshll.u32 s1, $0x11  }
0xc2: {  	s0 =	sor.u32 s1, s0  }
0xc3: {  	s0 =	sadd.s32 $0x8F2B, s0  }
0xc4: {  	[sflag:s0] =	ssyncadd.remote.s32 $0x1  }
0xc5: {  	_ =	sfence.sel $0xFFFF  }
0xc6: {  	[dreg:$0x0] =	wrdreg $0xFFFFFFFF;
	(pc) =	sbr.abs _section_cstart, $3  }
0xc7: {  	[dreg:$0x1] =	wrdreg $0xFFFFFFFF  }
0xc8: {  	_ =	task.clear_ibuf [dreg:s8], $0x2FFFF;
	_ =	strace $0x9FFFFFFF  }
0xc9: {  	(tm) =	ssettm $0x7FFFFFFF  }
tec
execute0_lowered:
.L_overlay_start_1:
0x0: {  	(tag) =	ssettag $0x1  }
0x1: {  	s2 =	stileid.u32  }
0x2: {  	p0 =	sgt.u32 s2, $0x7  }
.Ltmp0:
0x3: {  	s1 =	rddreg [dreg:$0x0];
	(pc) =	sbr.rel @p0 .LBB2_5-.Ltmp0, $4  }
0x4: {  	s3 =	rddreg [dreg:$0x1]  }
0x5: {  	s7 =	rddreg [dreg:$0x2];
	s4 =	simm.s32 $0x0  }
0x6: {  	[smem:$0x7FF] =	sst s4  }
0x7: {  	s0 =	rddreg [dreg:$0x3];
	_ =	strace $0x8000004A  }
0x8: {  	s5 =	srdreg.scid;
	s6 =	sshll.u32 s2, $0x1;
	s9 =	sshrl.u32 s2, $0x2  }
0x9: {  	s13 =	simm.s32 $0x400;
	s14 =	simm.s32 $0xE000;
	s5 =	sand.u32 $0x1, s5  }
0xa: {  	s15 =	simm.s32 $0x0;
	s10 =	sshll.u32 s9, $0x11;
	s6 =	sor.u32 s5, s6  }
0xb: {  	s11 =	sshll.u32 s9, $0x10;
	s8 =	sshll.u32 s6, $0x3;
	s6 =	sshll.u32 s6, $0x7  }
0xc: {  	s29 =	ssub.s32 $0x2, s5;
	s8 =	scvt.s32.f32 s8;
	s6 =	sand.u32 $0x380, s6  }
0xd: {  	s9 =	sshll.u32 s9, $0xA;
	s31 =	sshrl.u32 s29, $0x1;
	s10 =	sor.u32 s10, s6  }
0xe: {  	v1 =	vlaneseq.u32;
	v4 =	vimm.s32 $0x0;
	s11 =	sor.u32 s11, s6;
	s30 =	sor.u32 s9, s6;
	s8 =	sadd.f32 $5.000000000e-01, s8  }
0xf: {  	vm0 =	vmmov $0x1;
	v3 =	vor.u32 $0x800, v1;
	v5 =	vor.u32 $0x1000, v1;
	s9 =	ssub.s32 s29, s31;
	s10 =	sshrl.u32 s10, $0x3;
	s11 =	sshrl.u32 s11, $0x3  }
0x10: {  	v6 =	vor.u32 $0x1800, v1;
	v7 =	vor.u32 $0x2000, v1;
	v8 =	vor.u32 $0x2800, v1;
	s10 =	sadd.s32 s10, s3;
	s11 =	sadd.s32 s11, s3;
	s12 =	sadd.f32 $7.000000000e+00, s8  }
0x11: {  	v9 =	vor.u32 $0x3000, v1;
	v10 =	vor.u32 $0x3800, v1;
	v2 =	vmov s8;
	s5 =	sadd.s32 $0x400, s10;
	s6 =	sadd.s32 $0x8400, s11;
	s8 =	sshrl.u32 s30, $0x3  }
0x12: {  	v11 =	vor.u32 $0x4000, v1;
	v12 =	vor.u32 $0x4800, v1;
	v13 =	vor.u32 $0x5000, v1;
	s10 =	simm.s32 $0xC000;
	s11 =	simm.s32 $0x8000;
	s7 =	sadd.s32 s7, s8  }
0x13: {  	v14 =	vor.u32 $0x5800, v1;
	v15 =	vor.u32 $0x6000, v1;
	s8 =	smax.u32 s9, $0x1;
	s9 =	simm.s32 $0x1;
	v0 =	vmov s12;
	s12 =	simm.s32 $0x80  }
.LBB2_2:
0x14: {  	s16 =	simm.s32 $0x0  }
0x15: {  	[tilespmem:s16], [sflag:$0x1] =	stream.linear.gather [hbm4b:s1+s16], $0x8000, $0x38;
	[tilespmem:$0xE080] =	vst v63  }
0x16: {  	_ =	swait.ge [sflag:s9], $0x8000  }
0x17: {  	[sflag:s9] =	ssyncset.done $0x0  }
0x18: {  	v16 =	vor.u32 s16, v1;
	[sflag:s9] =	ssyncadd.s32 $0xFFFF8000  }
0x19: {  	v17 =	vor.u32 s16, v3;
	[tilespmem:s10], [sflag:$0x1] =	stream.linear.gather [hbm4b:s3+s16], $0x2000, $0x38;
	[tilespmem:$0xE080] =	vst v63  }
0x1a: {  	_ =	swait.ge [sflag:s9], $0x2000  }
0x1b: {  	[sflag:s9] =	ssyncset.done $0x0  }
0x1c: {  	[sflag:s9] =	ssyncadd.s32 $0xFFFFE000  }
0x1d: {  	v16 =	vld.idx.msk [tilespmem:v16+s4+$0x0], $0xffff  }
0x1e: {  	v17 =	vld.idx.msk [tilespmem:v17+s4+$0x0], $0xffff;
	_ =	sdelay $0x4  }
0x1f: {  	vm1 =	vle.f32 v16, v0;
	vm2 =	vge.f32 v17, v2  }
0x20: {  	vm1 =	vmand vm1, vm2  }
0x21: {  	v16 =	vsel vm1, $0x1, v4  }
0x22: {  	(xrf0) =	vadd.scan.msk.s32 $0xffff, v16;
	_ =	sdelay $0x3  }
0x23: {  	v16 =	vor.u32 s16, v5;
	_ =	sdelay $0x1  }
0x24: {  	v17, _, _ =	vpop (xrf0)  }
0x25: {  	v17 =	vadd.s32 v17, v4  }
0x26: {  	v17 =	vadd.s32 $0xFFFFFFFF, v17  }
0x27: {  	v16 =	vld.idx.msk [tilespmem:v16+s4+$0x0], $0xffff;
	v18 =	vshll.u32 v17, $0x3  }
0x28: {  	v19 =	vor.u32 s16, v6;
	_ =	sdelay $0x3  }
0x29: {  	[tilespmem:v18+s11+$0x0] =	vst.idx.msk vm1, v16  }
0x2a: {  	v16 =	vld.idx.msk [tilespmem:v19+s4+$0x0], $0xffff;
	v19 =	vor.u32 $0x1, v18  }
0x2b: {  	v20 =	vor.u32 s16, v7;
	_ =	sdelay $0x3  }
0x2c: {  	[tilespmem:v19+s11+$0x0] =	vst.idx.msk vm1, v16  }
0x2d: {  	v19 =	vor.u32 $0x2, v18;
	v16 =	vld.idx.msk [tilespmem:v20+s4+$0x0], $0xffff  }
0x2e: {  	v20 =	vor.u32 s16, v8;
	_ =	sdelay $0x3  }
0x2f: {  	[tilespmem:v19+s11+$0x0] =	vst.idx.msk vm1, v16  }
0x30: {  	v16 =	vor.u32 $0x3, v18;
	v19 =	vld.idx.msk [tilespmem:v20+s4+$0x0], $0xffff  }
0x31: {  	v20 =	vor.u32 s16, v9;
	_ =	sdelay $0x3  }
0x32: {  	[tilespmem:v16+s11+$0x0] =	vst.idx.msk vm1, v19  }
0x33: {  	v19 =	vor.u32 $0x4, v18;
	v16 =	vld.idx.msk [tilespmem:v20+s4+$0x0], $0xffff  }
0x34: {  	v20 =	vor.u32 s16, v10;
	_ =	sdelay $0x3  }
0x35: {  	[tilespmem:v19+s11+$0x0] =	vst.idx.msk vm1, v16  }
0x36: {  	v19 =	vor.u32 $0x5, v18;
	v16 =	vld.idx.msk [tilespmem:v20+s4+$0x0], $0xffff  }
0x37: {  	v20 =	vor.u32 s16, v11;
	_ =	sdelay $0x3  }
0x38: {  	[tilespmem:v19+s11+$0x0] =	vst.idx.msk vm1, v16  }
0x39: {  	v19 =	vor.u32 $0x6, v18;
	v16 =	vld.idx.msk [tilespmem:v20+s4+$0x0], $0xffff  }
0x3a: {  	v20 =	vor.u32 s16, v12;
	_ =	sdelay $0x3  }
0x3b: {  	[tilespmem:v19+s11+$0x0] =	vst.idx.msk vm1, v16  }
0x3c: {  	v18 =	vor.u32 $0x7, v18;
	v16 =	vld.idx.msk [tilespmem:v20+s4+$0x0], $0xffff  }
0x3d: {  	v19 =	vor.u32 s16, v13;
	_ =	sdelay $0x2  }
0x3e: {  	v20 =	vshll.u32 v17, $0x2  }
0x3f: {  	v20 =	vand.u32 $0xFFFFFC00, v20;
	[tilespmem:v18+s11+$0x0] =	vst.idx.msk vm1, v16;
	v16 =	vand.u32 $0xFF, v17  }
0x40: {  	v17 =	vld.idx.msk [tilespmem:v19+s4+$0x0], $0xffff;
	v18 =	vor.u32 v16, v20  }
0x41: {  	v16 =	vor.u32 s16, v14;
	_ =	sdelay $0x3  }
0x42: {  	[tilespmem:v18+s10+$0x0] =	vst.idx.msk vm1, v17  }
0x43: {  	v17 =	vor.u32 $0x100, v18;
	v19 =	vld.idx.msk [tilespmem:v16+s4+$0x0], $0xffff  }
0x44: {  	v20 =	vor.u32 s16, v15;
	_ =	sdelay $0x3  }
0x45: {  	v16 =	vmpcnt.ones.xlane vm1;
	[tilespmem:v17+s10+$0x0] =	vst.idx.msk vm1, v19  }
0x46: {  	s16 =	simm.s32 $0x10;
	v18 =	vor.u32 $0x200, v18;
	v21 =	vld.idx.msk [tilespmem:v20+s4+$0x0], $0xffff  }
0x47: {  	v16 =	vadd.s32 v4, v16;
	v19 =	vor.u32 s16, v1  }
0x48: {  	s17 =	simm.s32 $0x20;
	v17 =	vmov v16;
	v20 =	vor.u32 s16, v3  }
.LBB2_3:
0x49: {  	_ =	sdelay $0x1  }
0x4a: {  	p0 =	sne.s32 s17, $0x7F0;
	s18 =	smov.u32 s17;
	s17 =	sadd.s32 $0x10, s17;
	[tilespmem:v18+s10+$0x0] =	vst.idx.msk vm1, v21  }
0x4b: {  	v18 =	vld.idx.msk [tilespmem:v19+s4+$0x0], $0xffff  }
0x4c: {  	v19 =	vld.idx.msk [tilespmem:v20+s4+$0x0], $0xffff;
	_ =	sdelay $0x4  }
0x4d: {  	vm1 =	vle.f32 v18, v0  }
0x4e: {  	vm2 =	vge.f32 v19, v2  }
0x4f: {  	vm1 =	vmand vm1, vm2  }
0x50: {  	v18 =	vsel vm1, $0x1, v4;
	v19 =	vmpcnt.ones.xlane vm1  }
0x51: {  	(xrf0) =	vadd.scan.msk.s32 $0xffff, v18  }
0x52: {  	v16 =	vadd.s32 v16, v19;
	_ =	sdelay $0x1  }
0x53: {  	v18 =	vor.u32 s16, v5;
	_ =	sdelay $0x2  }
0x54: {  	v19, _, _ =	vpop (xrf0)  }
0x55: {  	v19 =	vadd.s32 v19, v17;
	v17 =	vmov v16  }
0x56: {  	v19 =	vadd.s32 $0xFFFFFFFF, v19;
	v18 =	vld.idx.msk [tilespmem:v18+s4+$0x0], $0xffff  }
0x57: {  	v20 =	vshll.u32 v19, $0x3;
	v21 =	vshll.u32 v19, $0x2  }
0x58: {  	v22 =	vor.u32 s16, v6;
	v23 =	vor.u32 $0x3, v20;
	v21 =	vand.u32 $0xFFFFFC00, v21;
	_ =	sdelay $0x3  }
0x59: {  	[tilespmem:v20+s11+$0x0] =	vst.idx.msk vm1, v18  }
0x5a: {  	v18 =	vld.idx.msk [tilespmem:v22+s4+$0x0], $0xffff  }
0x5b: {  	v22 =	vor.u32 $0x1, v20  }
0x5c: {  	v24 =	vor.u32 s16, v7;
	_ =	sdelay $0x3  }
0x5d: {  	[tilespmem:v22+s11+$0x0] =	vst.idx.msk vm1, v18  }
0x5e: {  	v18 =	vld.idx.msk [tilespmem:v24+s4+$0x0], $0xffff  }
0x5f: {  	v22 =	vor.u32 $0x2, v20  }
0x60: {  	v24 =	vor.u32 s16, v8;
	_ =	sdelay $0x3  }
0x61: {  	[tilespmem:v22+s11+$0x0] =	vst.idx.msk vm1, v18  }
0x62: {  	v18 =	vld.idx.msk [tilespmem:v24+s4+$0x0], $0xffff;
	_ =	sdelay $0x1  }
0x63: {  	v22 =	vor.u32 s16, v9;
	_ =	sdelay $0x3  }
0x64: {  	[tilespmem:v23+s11+$0x0] =	vst.idx.msk vm1, v18  }
0x65: {  	v18 =	vld.idx.msk [tilespmem:v22+s4+$0x0], $0xffff  }
0x66: {  	v22 =	vor.u32 $0x4, v20  }
0x67: {  	v23 =	vor.u32 s16, v10;
	_ =	sdelay $0x3  }
0x68: {  	[tilespmem:v22+s11+$0x0] =	vst.idx.msk vm1, v18  }
0x69: {  	v18 =	vld.idx.msk [tilespmem:v23+s4+$0x0], $0xffff  }
0x6a: {  	v22 =	vor.u32 $0x5, v20  }
0x6b: {  	v23 =	vor.u32 s16, v11;
	_ =	sdelay $0x3  }
0x6c: {  	[tilespmem:v22+s11+$0x0] =	vst.idx.msk vm1, v18  }
0x6d: {  	v18 =	vld.idx.msk [tilespmem:v23+s4+$0x0], $0xffff  }
0x6e: {  	v22 =	vor.u32 $0x6, v20  }
0x6f: {  	v23 =	vor.u32 s16, v12;
	_ =	sdelay $0x3  }
0x70: {  	[tilespmem:v22+s11+$0x0] =	vst.idx.msk vm1, v18  }
0x71: {  	v18 =	vld.idx.msk [tilespmem:v23+s4+$0x0], $0xffff  }
0x72: {  	v20 =	vor.u32 $0x7, v20  }
0x73: {  	v22 =	vor.u32 s16, v13;
	_ =	sdelay $0x3  }
0x74: {  	[tilespmem:v20+s11+$0x0] =	vst.idx.msk vm1, v18  }
0x75: {  	v18 =	vand.u32 $0xFF, v19;
	v20 =	vld.idx.msk [tilespmem:v22+s4+$0x0], $0xffff  }
0x76: {  	v19 =	vor.u32 v18, v21  }
0x77: {  	v21 =	vor.u32 s16, v14;
	v22 =	vor.u32 $0x100, v19;
	v18 =	vor.u32 $0x200, v19;
	_ =	sdelay $0x3  }
0x78: {  	[tilespmem:v19+s10+$0x0] =	vst.idx.msk vm1, v20  }
0x79: {  	v19 =	vld.idx.msk [tilespmem:v21+s4+$0x0], $0xffff;
	_ =	sdelay $0x1  }
0x7a: {  	v20 =	vor.u32 s16, v15;
	s16 =	smov.u32 s18;
	_ =	sdelay $0x3  }
.Ltmp1:
0x7b: {  	[tilespmem:v22+s10+$0x0] =	vst.idx.msk vm1, v19;
	(pc) =	sbr.rel @p0 .LBB2_3-.Ltmp1, $3  }
0x7c: {  	v21 =	vld.idx.msk [tilespmem:v20+s4+$0x0], $0xffff;
	_ =	sdelay $0x1  }
0x7d: {  	v19 =	vor.u32 s16, v1  }
0x7e: {  	v20 =	vor.u32 s16, v3  }
0x7f: {  	_ =	sdelay $0x4  }
0x80: {  	[tilespmem:v18+s10+$0x0] =	vst.idx.msk vm1, v21  }
0x81: {  	v18 =	vld.idx.msk [tilespmem:v19+s4+$0x0], $0xffff  }
0x82: {  	v40 =	vld.idx.msk [tilespmem:v20+s4+$0x0], $0xffff;
	_ =	sdelay $0x4  }
0x83: {  	vm1 =	vle.f32 v18, v0;
	vm2 =	vge.f32 v40, v2  }
0x84: {  	vm1 =	vmand vm1, vm2  }
0x85: {  	v41 =	vsel vm1, $0x1, v4  }
0x86: {  	(xrf0) =	vadd.scan.msk.s32 $0xffff, v41;
	_ =	sdelay $0x3  }
0x87: {  	v42 =	vor.u32 s16, v5;
	_ =	sdelay $0x1  }
0x88: {  	v43, _, _ =	vpop (xrf0)  }
0x89: {  	v17 =	vadd.s32 v43, v17  }
0x8a: {  	v17 =	vadd.s32 $0xFFFFFFFF, v17  }
0x8b: {  	v18 =	vld.idx.msk [tilespmem:v42+s4+$0x0], $0xffff;
	v44 =	vshll.u32 v17, $0x3  }
0x8c: {  	v45 =	vor.u32 s16, v6;
	_ =	sdelay $0x3  }
0x8d: {  	[tilespmem:v44+s11+$0x0] =	vst.idx.msk vm1, v18  }
0x8e: {  	v46 =	vor.u32 $0x1, v44;
	v18 =	vld.idx.msk [tilespmem:v45+s4+$0x0], $0xffff  }
0x8f: {  	v47 =	vor.u32 s16, v7;
	_ =	sdelay $0x3  }
0x90: {  	[tilespmem:v46+s11+$0x0] =	vst.idx.msk vm1, v18  }
0x91: {  	v48 =	vor.u32 $0x2, v44;
	v18 =	vld.idx.msk [tilespmem:v47+s4+$0x0], $0xffff  }
0x92: {  	v49 =	vor.u32 s16, v8;
	_ =	sdelay $0x3  }
0x93: {  	[tilespmem:v48+s11+$0x0] =	vst.idx.msk vm1, v18  }
0x94: {  	v50 =	vor.u32 $0x3, v44;
	v20 =	vld.idx.msk [tilespmem:v49+s4+$0x0], $0xffff  }
0x95: {  	v51 =	vor.u32 s16, v9;
	_ =	sdelay $0x3  }
0x96: {  	[tilespmem:v50+s11+$0x0] =	vst.idx.msk vm1, v20  }
0x97: {  	v52 =	vor.u32 $0x4, v44;
	v18 =	vld.idx.msk [tilespmem:v51+s4+$0x0], $0xffff  }
0x98: {  	v53 =	vor.u32 s16, v10;
	_ =	sdelay $0x3  }
0x99: {  	[tilespmem:v52+s11+$0x0] =	vst.idx.msk vm1, v18  }
0x9a: {  	v54 =	vor.u32 $0x5, v44;
	v18 =	vld.idx.msk [tilespmem:v53+s4+$0x0], $0xffff  }
0x9b: {  	v55 =	vor.u32 s16, v11;
	_ =	sdelay $0x3  }
0x9c: {  	[tilespmem:v54+s11+$0x0] =	vst.idx.msk vm1, v18  }
0x9d: {  	v56 =	vor.u32 $0x6, v44;
	v18 =	vld.idx.msk [tilespmem:v55+s4+$0x0], $0xffff  }
0x9e: {  	v57 =	vor.u32 s16, v12;
	_ =	sdelay $0x3  }
0x9f: {  	[tilespmem:v56+s11+$0x0] =	vst.idx.msk vm1, v18  }
0xa0: {  	v19 =	vor.u32 $0x7, v44;
	v18 =	vld.idx.msk [tilespmem:v57+s4+$0x0], $0xffff  }
0xa1: {  	v58 =	vor.u32 s16, v13;
	_ =	sdelay $0x2  }
0xa2: {  	v59 =	vshll.u32 v17, $0x2  }
0xa3: {  	v17 =	vand.u32 $0xFF, v17;
	v21 =	vand.u32 $0xFFFFFC00, v59;
	[tilespmem:v19+s11+$0x0] =	vst.idx.msk vm1, v18  }
0xa4: {  	v17 =	vor.u32 v17, v21;
	v18 =	vld.idx.msk [tilespmem:v58+s4+$0x0], $0xffff  }
0xa5: {  	v60 =	vor.u32 s16, v14;
	_ =	sdelay $0x3  }
0xa6: {  	[tilespmem:v17+s10+$0x0] =	vst.idx.msk vm1, v18  }
0xa7: {  	v61 =	vor.u32 $0x100, v17;
	v19 =	vld.idx.msk [tilespmem:v60+s4+$0x0], $0xffff  }
0xa8: {  	v62 =	vor.u32 s16, v15;
	_ =	sdelay $0x3  }
0xa9: {  	[tilespmem:v61+s10+$0x0] =	vst.idx.msk vm1, v19  }
0xaa: {  	v17 =	vor.u32 $0x200, v17;
	v18 =	vld.idx.msk [tilespmem:v62+s4+$0x0], $0xffff;
	_ =	sdelay $0x1  }
0xab: {  	v63 =	vmpcnt.ones.xlane vm1;
	_ =	sdelay $0x1  }
0xac: {  	v16 =	vadd.s32 v16, v63  }
0xad: {  	v16 =	vnsel vm0, $0x0, v16;
	[tilespmem:v17+s10+$0x0] =	vst.idx.msk vm1, v18  }
0xae: {  	[tilespmem:$0xE000] =	vst v16  }
0xaf: {  	[hbm4b:s5+s12] =	stream.strided.scatter [tilespmem:s11], [sflag:$0x1], $0x4000, s13, s12, $0x38;
	[tilespmem:$0xE080] =	vst v63  }
0xb0: {  	_ =	swait.ge [sflag:s9], $0x4000  }
0xb1: {  	[sflag:s9] =	ssyncset.done $0x0  }
0xb2: {  	[sflag:s9] =	ssyncadd.s32 $0xFFFFC000  }
0xb3: {  	[hbm4b:s6+s12] =	stream.strided.scatter [tilespmem:s10], [sflag:$0x1], $0x2000, s13, s12, $0x38;
	[tilespmem:$0xE080] =	vst v63  }
0xb4: {  	s15 =	sadd.s32 $0x1, s15;
	_ =	swait.ge [sflag:s9], $0x2000  }
0xb5: {  	p0 =	sne.s32 s15, s8;
	[sflag:s9] =	ssyncset.done $0x0  }
.Ltmp2:
0xb6: {  	[sflag:s9] =	ssyncadd.s32 $0xFFFFE000;
	(pc) =	sbr.rel @p0 .LBB2_2-.Ltmp2, $4  }
0xb7: {  	[hbm4b:s7+s4] =	stream.linear.scatter [tilespmem:s14], [sflag:$0x1], $0x80, $0x38;
	[tilespmem:$0xE080] =	vst v63  }
0xb8: {  	_ =	swait.ge [sflag:s9], $0x80  }
0xb9: {  	[sflag:s9] =	ssyncset.done $0x0  }
0xba: {  	[sflag:s9] =	ssyncadd.s32 $0xFFFFFF80  }
.LBB2_5:
0xbb: {  	_ =	sfence.sel $0x180000  }
0xbc: {  	[bflag:$0x0] =	sbarrier.arrive $0xFFFF  }
0xbd: {  	p0 =	sne.s32 s2, $0x0;
	_ =	strace $0x9000004A  }
0xbe: {  	s0 =	sadd.s32 @!p0 $0x100000, s0;
	[bflag:$0x2] =	sbarrier.arrive $0xFFFF  }
0xbf: {  	[sflag:s0] =	ssyncadd.tile.s32 @!p0 $0x1;
	_ =	shalt  }
.Lfunc_end2:
_tile_overlayer_lowered:
.L_overlay_start_2:
0xc0: {  	(tag) =	ssettag $0x2  }
0xc1: {  	s0 =	rddreg [dreg:$0x0];
	s2 =	stileid.u32  }
0xc2: {  	s1 =	rddreg [dreg:$0x1];
	p0 =	sne.s32 s2, $0x0  }
0xc3: {  	s3 =	rddreg [dreg:$0x2];
	[bflag:$0x3] =	sbarrier.arrive $0xFFFF;
	s2 =	simm.s32 @!p0 $0x1C01  }
0xc4: {  	[timem:s3], [sflag:s2] =	dma.local @!p0 [hbm:s0], s1  }
0xc5: {  	s0 =	simm.s32 @!p0 $0x1  }
0xc6: {  	_ =	swait.ge @!p0 [sflag:s0], s1  }
0xc7: {  	s1 =	ssub.s32 @!p0 $0x0, s1;
	[sflag:s0] =	ssyncset.done @!p0 $0x0  }
0xc8: {  	[sflag:s0] =	ssyncadd.s32 @!p0 s1  }
0xc9: {  	[bflag:$0x3] =	sbarrier.arrive $0xFFFF  }
0xca: {  	_ =	shalt  }

// kernel: scatter_offload_async_start
scs
__scs_entry_jumppad:
0x0: {  	(pc) =	sbr.rel $0x88, $3  }
0x1: {  	(tag) =	ssettag $0x0;
	lr =	simm.s32 $0x1  }
0x2: {  	[smem:$0x3F9A] =	sst lr;
	_ =	strace $0xD0000000  }
0x3: {  	_ = 	snop  }
0x4: {  	_ = 	snop  }
0x5: {  	_ = 	snop  }
0x6: {  	_ = 	snop  }
0x7: {  	_ = 	snop  }
__scs_overlays_trampoline_lowered:
0x8: {  	[smem:$0x3FA9] =	sst s0  }
0x9: {  	[smem:$0x3FAA] =	sst s1  }
0xa: {  	[smem:$0x3FAB] =	sst s2  }
0xb: {  	[smem:$0x3FAC] =	sst s3  }
0xc: {  	[smem:$0x3FAD] =	sst s4  }
0xd: {  	[smem:$0x3FAE] =	sst s5  }
0xe: {  	[smem:$0x3FAF] =	sst s6  }
0xf: {  	[smem:$0x3FB0] =	sst s7  }
0x10: {  	[smem:$0x3FB1] =	sst s8  }
0x11: {  	[smem:$0x3FB2] =	sst s9;
	s0 =	simm.s32 @!p0 $0x0  }
0x12: {  	s1 =	sld [smem:$0x3F98];
	s0 =	simm.s32 @p0 $0x1  }
0x13: {  	[smem:$0x3FB3] =	sst s0;
	s0 =	simm.s32 @!p1 $0x0  }
0x14: {  	s2 =	sld [smem:$0x3F97];
	s0 =	simm.s32 @p1 $0x1  }
0x15: {  	[smem:$0x3FB4] =	sst s0;
	s0 =	simm.s32 @!p2 $0x0  }
0x16: {  	s3 =	sld [smem:$0x3FDB];
	s0 =	simm.s32 @p2 $0x1  }
0x17: {  	s4 =	simm.s32 $0x1BF5;
	[smem:$0x3FB6] =	sst s0  }
0x18: {  	s0 =	sld [smem:$0x3F99];
	_ =	swait.ge [sflag:s4], $0x0  }
0x19: {  	s7 =	sld [smem:$0x3F9A]  }
0x1a: {  	s8 =	sadd.s32 $0xFFFFE003, lr  }
0x1b: {  	s9 =	sadd.s32 $0xFFFFFEF7, lr;
	s5 =	simm.s32 $0xFFFFFFFF;
	p2 =	slt.u32 s8, $0xFFFFF086  }
0x1c: {  	p1 =	slt.u32 s9, $0xF7A;
	s5 =	simm.s32 @!p2 $0x0  }
0x1d: {  	s5 =	simm.s32 @p1 $0x1;
	p0 =	seq.s32 s7, s2  }
0x1e: {  	s7 =	smul.u32 @!p0 $0xF7A, s2;
	p2 =	seq.s32 @!p0 s5, $0x0  }
0x1f: {  	s9 =	smul.u32 $0xF7A, s1;
	s8 =	simm.s32 @!p0 $0x1BF5;
	p2 =	por !p2, p0  }
0x20: {  	[sflag:s8] =	ssyncset.s32 @!p0 $0xFFFFF086;
	s6 =	sadd.s32 @!p0 s3, s7;
	s7 =	simm.s32 @!p0 $0x108  }
0x21: {  	s3 =	sadd.s32 s3, s9;
	s6 =	sadd.s32 @!p0 $0x88, s6;
	s7 =	simm.s32 @p2 $0x1082  }
0x22: {  	[simem:s7], [sflag:s8] =	dma.local @!p0 [hbm:s6], $0xF7A  }
0x23: {  	s9 =	sor.u32 $0xD0000000, s2;
	s6 =	simm.s32 $0x108;
	_ =	swait.ge @!p0 [sflag:s8], $0x0  }
0x24: {  	s3 =	sadd.s32 $0x88, s3;
	s6 =	simm.s32 @!p1 $0x1082;
	[sflag:s4] =	ssyncset.s32 $0xFFFFF086  }
0x25: {  	[simem:s6], [sflag:s4] =	dma.local [hbm:s3], $0xF7A  }
0x26: {  	[smem:$0x3F9A] =	sst s1;
	(tag) =	ssettag s2;
	_ =	strace s9  }
0x27: {  	s1 =	sld [smem:$0x3FAA]  }
0x28: {  	s2 =	sld [smem:$0x3FAB]  }
0x29: {  	s4 =	sld [smem:$0x3FAD]  }
0x2a: {  	p0 =	seq.s32 s5, $0x0;
	s5 =	sld [smem:$0x3FAE]  }
0x2b: {  	s6 =	sld [smem:$0x3FAF]  }
0x2c: {  	s7 =	sld [smem:$0x3FB0]  }
0x2d: {  	s3 =	simm.s32 $0x108;
	s8 =	sld [smem:$0x3FB1]  }
0x2e: {  	s3 =	simm.s32 @!p0 $0x1082;
	s9 =	sld [smem:$0x3FB2]  }
0x2f: {  	lr =	sadd.s32 s0, s3;
	s0 =	sld [smem:$0x3FA9]  }
0x30: {  	s3 =	sld [smem:$0x3FAC]  }
0x31: {  	[smem:$0x3FB5] =	sst s10  }
0x32: {  	s10 =	sld [smem:$0x3FB3];
	_ =	sdelay $0x3  }
0x33: {  	p0 =	seq.s32 s10, $0x1;
	s10 =	sld [smem:$0x3FB5];
	_ =	sdelay $0x3  }
0x34: {  	[smem:$0x3FB5] =	sst s10  }
0x35: {  	s10 =	sld [smem:$0x3FB4];
	_ =	sdelay $0x3  }
0x36: {  	p1 =	seq.s32 s10, $0x1;
	s10 =	sld [smem:$0x3FB5];
	_ =	sdelay $0x3  }
0x37: {  	[smem:$0x3FB5] =	sst s10  }
0x38: {  	s10 =	sld [smem:$0x3FB6]  }
0x39: {  	_ = 	snop;
	(pc) =	sbr.ind lr, $3  }
0x3a: {  	_ = 	snop  }
0x3b: {  	_ = 	snop  }
0x3c: {  	p2 =	seq.s32 s10, $0x1;
	s10 =	sld [smem:$0x3FB5]  }
0x3d: {  	_ =	shalt  }
0x3e: {  	_ =	shalt  }
0x3f: {  	_ =	shalt  }
0x40: {  	_ =	shalt  }
0x41: {  	_ =	shalt  }
0x42: {  	_ =	shalt  }
0x43: {  	_ =	shalt  }
0x44: {  	_ =	shalt  }
0x45: {  	_ =	shalt  }
0x46: {  	_ =	shalt  }
0x47: {  	_ =	shalt  }
0x48: {  	_ =	shalt  }
0x49: {  	_ =	shalt  }
0x4a: {  	_ =	shalt  }
0x4b: {  	_ =	shalt  }
0x4c: {  	_ =	shalt  }
0x4d: {  	_ =	shalt  }
0x4e: {  	_ =	shalt  }
0x4f: {  	_ =	shalt  }
0x50: {  	_ =	shalt  }
0x51: {  	_ =	shalt  }
0x52: {  	_ =	shalt  }
0x53: {  	_ =	shalt  }
0x54: {  	_ =	shalt  }
0x55: {  	_ =	shalt  }
0x56: {  	_ =	shalt  }
0x57: {  	_ =	shalt  }
0x58: {  	_ =	shalt  }
0x59: {  	_ =	shalt  }
0x5a: {  	_ =	shalt  }
0x5b: {  	_ =	shalt  }
0x5c: {  	_ =	shalt  }
0x5d: {  	_ =	shalt  }
0x5e: {  	_ =	shalt  }
0x5f: {  	_ =	shalt  }
0x60: {  	_ =	shalt  }
0x61: {  	_ =	shalt  }
0x62: {  	_ =	shalt  }
0x63: {  	_ =	shalt  }
0x64: {  	_ =	shalt  }
0x65: {  	_ =	shalt  }
0x66: {  	_ =	shalt  }
0x67: {  	_ =	shalt  }
0x68: {  	_ =	shalt  }
0x69: {  	_ =	shalt  }
0x6a: {  	_ =	shalt  }
0x6b: {  	_ =	shalt  }
0x6c: {  	_ =	shalt  }
0x6d: {  	_ =	shalt  }
0x6e: {  	_ =	shalt  }
0x6f: {  	_ =	shalt  }
0x70: {  	_ =	shalt  }
0x71: {  	_ =	shalt  }
0x72: {  	_ =	shalt  }
0x73: {  	_ =	shalt  }
0x74: {  	_ =	shalt  }
0x75: {  	_ =	shalt  }
0x76: {  	_ =	shalt  }
0x77: {  	_ =	shalt  }
0x78: {  	_ =	shalt  }
0x79: {  	_ =	shalt  }
0x7a: {  	_ =	shalt  }
0x7b: {  	_ =	shalt  }
0x7c: {  	_ =	shalt  }
0x7d: {  	_ =	shalt  }
0x7e: {  	_ =	shalt  }
0x7f: {  	_ =	shalt  }
0x80: {  	_ =	shalt  }
0x81: {  	_ =	shalt  }
0x82: {  	_ =	shalt  }
0x83: {  	_ =	shalt  }
0x84: {  	_ =	shalt  }
0x85: {  	_ =	shalt  }
0x86: {  	_ =	shalt  }
0x87: {  	_ =	shalt  }
.Lfunc_end0:
.L_simem_size_0:
called_computation_lowered:
.L_overlay_start_0:
0x88: {  	s0 =	sld [smem:$0x3FD9]  }
0x89: {  	s1 =	sld [smem:$0x3FFE];
	_ =	sdelay $0x3  }
0x8a: {  	s0 =	sadd.s32 s1, s0  }
0x8b: {  	[smem:$0x3FC1] =	sst s0  }
0x8c: {  	_ = 	snop  }
0x8d: {  	s0 =	sld [smem:$0x3FD0];
	_ =	sdelay $0x2  }
0x8e: {  	s13 =	simm.s32 $0xA;
	s2 =	simm.s32 $0x10  }
0x8f: {  	[smem:s2], [sflag:s13] =	dma.local [hbm:s0], $0x1  }
0x90: {  	_ =	swait.eq [sflag:s13], $0x1  }
0x91: {  	[sflag:s13] =	ssyncset.done $0x0  }
0x92: {  	[sflag:s13] =	ssyncadd.s32 $0xFFFFFFFF  }
0x93: {  	s14 =	sld [smem:$0x12];
	(tm) =	ssettm $0x1  }
0x94: {  	s15 =	sld [smem:$0x3FFB];
	_ =	sdelay $0x3  }
0x95: {  	_ =	strace s15  }
0x96: {  	s1 =	sld [smem:$0x3FFC];
	_ =	sdelay $0x3  }
0x97: {  	_ =	strace s1  }
0x98: {  	s1 =	sld [smem:$0x3FFD];
	_ =	sdelay $0x3  }
0x99: {  	_ =	strace s1  }
0x9a: {  	_ =	strace $0x8FFFFFFF  }
0x9b: {  	s16 =	sld [smem:$0x3FDB];
	_ =	sdelay $0x1  }
0x9c: {  	s17 =	simm.s32 $_scs_section_size  }
0x9d: {  	s3 =	simm.s32 $_size__tile_overlayer_lowered;
	s4 =	simm.s32 $_tile_overlayer_lowered  }
0x9e: {  	s20 =	simm.s32 $0x1BFF;
	s19 =	sshll.u32 s4, $0x1;
	s1 =	sadd.s32 s17, s16  }
0x9f: {  	s5 =	simm.s32 $0x0;
	s18 =	sshll.u32 s3, $0x1;
	s3 =	sadd.s32 s19, s1  }
0xa0: {  	[timem:s5], [sflag:s20] =	dma.local [hbm:s3], s18  }
0xa1: {  	_ =	swait.ge [sflag:s20], s18  }
0xa2: {  	s2 =	ssub.s32 $0x0, s18;
	[sflag:s20] =	ssyncset.done $0x0  }
0xa3: {  	[sflag:s20] =	ssyncadd.s32 s2;
	_ =	sdelay $0x1  }
0xa4: {  	s21 =	simm.s32 $0x1B8B  }
0xa5: {  	_ =	swait.ge [sflag:s21], $0x1  }
0xa6: {  	[sflag:s21] =	ssyncset.done $0x0  }
0xa7: {  	s23 =	simm.s32 $0x1B8E;
	s22 =	sld [smem:$0x3FFE];
	[sflag:s21] =	ssyncadd.s32 $0xFFFFFFFF  }
0xa8: {  	s24 =	simm.s32 $execute0_lowered;
	[smem:$0x3FD2] =	sst s23  }
0xa9: {  	s3 =	sshll.u32 s24, $0x1;
	_ =	strace $0x8000004C;
	[dreg:$0x1] =	wrdreg $0xFFFFFFFF  }
0xaa: {  	s25 =	simm.s32 $_size_execute0_lowered;
	s1 =	sadd.s32 s1, s3;
	[dreg:$0x0] =	wrdreg $0x0  }
0xab: {  	s3 =	sshll.u32 s25, $0x1;
	[dreg:$0x2] =	wrdreg s1  }
0xac: {  	[dreg:$0x3] =	wrdreg s3  }
0xad: {  	[dreg:$0x4] =	wrdreg $0xC0  }
0xae: {  	_ =	task [dreg:s5], $0x5FFFF  }
0xaf: {  	[dreg:$0x1] =	wrdreg $0xFFFFFFFF  }
0xb0: {  	[dreg:$0x0] =	wrdreg $0x60  }
0xb1: {  	[dreg:$0x2] =	wrdreg s14  }
0xb2: {  	[dreg:$0x3] =	wrdreg s22  }
0xb3: {  	[dreg:$0x4] =	wrdreg $0x9  }
0xb4: {  	_ =	task.clear_ibuf [dreg:s5], $0x5FFFF;
	_ =	strace $0x9000004C  }
0xb5: {  	s26 =	simm.s32 $0x9;
	_ =	strace $0x8000004E  }
0xb6: {  	_ =	swait.ge [sflag:s26], $0x1  }
0xb7: {  	[sflag:s26] =	ssyncadd.s32 $0xFFFFFFFF  }
0xb8: {  	_ =	strace $0x9000004E  }
0xb9: {  	_ =	sfence  }
0xba: {  	s28 =	sld [smem:$0x0];
	_ =	sdelay $0x1  }
0xbb: {  	s29 =	srdreg.scid  }
0xbc: {  	s30 =	sshll.u32 s29, $0xD;
	s31 =	sshrl.u32 s29, $0x2  }
0xbd: {  	s2 =	sand.u32 $0x4000, s30;
	s1 =	sand.u32 $0x1, s29;
	s0 =	sadd.s32 s31, s28  }
0xbe: {  	s1 =	sor.u32 s2, s1;
	s0 =	sshll.u32 s0, $0x11  }
0xbf: {  	s0 =	sor.u32 s0, s1  }
0xc0: {  	s0 =	sadd.s32 $0x8F2B, s0  }
0xc1: {  	[sflag:s0] =	ssyncadd.remote.s32 $0x1  }
0xc2: {  	_ =	sfence.sel $0xFFFF  }
0xc3: {  	[dreg:$0x0] =	wrdreg $0xFFFFFFFF;
	(pc) =	sbr.abs _section_cstart, $3  }
0xc4: {  	[dreg:$0x1] =	wrdreg $0xFFFFFFFF  }
0xc5: {  	_ =	task.clear_ibuf [dreg:s5], $0x2FFFF;
	_ =	strace $0x9FFFFFFF  }
0xc6: {  	(tm) =	ssettm $0x7FFFFFFF  }
0xc7: {  	_ =	shalt  }
tec
execute0_lowered:
.L_overlay_start_1:
0x0: {  	(tag) =	ssettag $0x1  }
0x1: {  	s1 =	rddreg [dreg:$0x0]  }
0x2: {  	s3 =	rddreg [dreg:$0x1]  }
0x3: {  	s0 =	rddreg [dreg:$0x2];
	s2 =	stileid.u32  }
0x4: {  	_ =	strace $0x8000004D;
	s4 =	simm.s32 $0x3E;
	p0 =	sne.s32 s2, $0x0  }
0x5: {  	[sflag:s4] =	ssyncpa.u1 $0x0;
	s5 =	simm.s32 @!p0 $0x1C3E;
	s6 =	simm.s32 @!p0 $0x0  }
0x6: {  	[spmem:s6], [sflag:s5] =	dma.local @!p0 [hbm:s1], $0x100  }
0x7: {  	s5 =	simm.s32 @!p0 $0x3E  }
0x8: {  	_ =	swait.ge @!p0 [sflag:s5], $0x100  }
0x9: {  	[sflag:s5] =	ssyncset.done @!p0 $0x0  }
0xa: {  	[sflag:s5] =	ssyncadd.s32 @!p0 $0xFFFFFF00  }
0xb: {  	s26 =	simm.s32 $0x1;
	s28 =	simm.s32 $0x2;
	[bflag:$0x0] =	sbarrier.arrive $0xFFFF  }
0xc: {  	s7 =	simm.s32 $0x880;
	s29 =	sadd.s32 $0x1000, s3;
	[sflag:s4] =	ssyncpa.u1 $0x1  }
0xd: {  	s30 =	sshll.u32 s2, $0x8;
	s2 =	simm.s32 $0x0;
	[sflag:s26] =	ssyncpa.u1 $0x0  }
0xe: {  	s5 =	sadd.s32 s29, s30;
	(ifvalue) =	ssetifvalue $0x800;
	[sflag:s28] =	ssyncpa.u1 $0x0  }
0xf: {  	[tilespmem:s7], [sflag:$0x2] =	stream.linear.gather [hbm4b:s5+s2], $0x800, $0x38;
	[tilespmem:$0x2080] =	vst v63  }
0x10: {  	s31 =	sadd.s32 s3, s30;
	s3 =	simm.s32 $0x1880  }
0x11: {  	[tilespmem:s3], [sflag:$0x2] =	stream.linear.gather [hbm4b:s31+s2], $0x800, $0x38;
	[tilespmem:$0x2080] =	vst v63  }
0x12: {  	_ =	swait.ge [sflag:s28], $0x1000  }
0x13: {  	[sflag:s28] =	ssyncset.done $0x0  }
0x14: {  	[sflag:s28] =	ssyncadd.s32 $0xFFFFF000  }
0x15: {  	v0 =	vld.msk [tilespmem:s7+$0x0 ss:$0x1], $0xffff;
	_ =	sdelay $0x4  }
0x16: {  	v0 =	vmin.u32 v0, $0x800;
	_ =	sdelay $0x3  }
0x17: {  	vm0 =	vmmov $0xffff;
	s4 =	simm.s32 $0x0;
	s5 =	simm.s32 $0x890  }
0x18: {  	[spmem:s2] =	stream.indirect_vreg.scatter.add.s32 [tilespmem:s3], [sflag:$0x1], $0x1, v0, vm0, $0x4038;
	[tilespmem:$0x2080] =	vst v63  }
.LBB2_1:
0x19: {  	v0 =	vld.msk [tilespmem:s5+$0x0 ss:$0x1], $0xffff;
	s4 =	sadd.s32 $0x10, s4  }
0x1a: {  	p1 =	slt.u32 s4, $0x7F0;
	_ =	sdelay $0x4  }
0x1b: {  	v0 =	vmin.u32 v0, $0x800  }
.Ltmp0:
0x1c: {  	(pc) =	sbr.rel @p1 .LBB2_1-.Ltmp0, $3  }
0x1d: {  	_ =	sdelay $0x1  }
0x1e: {  	s5 =	sadd.s32 $0x10, s5;
	s3 =	sadd.s32 $0x10, s3  }
0x1f: {  	[spmem:s2] =	stream.indirect_vreg.scatter.add.s32 [tilespmem:s3], [sflag:$0x1], $0x1, v0, vm0, $0x4038;
	[tilespmem:$0x2080] =	vst v63  }
0x20: {  	s2 =	simm.s32 $0x1  }
0x21: {  	_ =	swait.ge [sflag:s2], $0x800  }
0x22: {  	[sflag:s2] =	ssyncset.done $0x0  }
0x23: {  	[sflag:s2] =	ssyncadd.s32 $0xFFFFF800  }
0x24: {  	_ =	sfence.sel $0x180000  }
0x25: {  	s3 =	simm.s32 $0x2;
	[bflag:$0x0] =	sbarrier.arrive $0xFFFF  }
0x26: {  	[sflag:s3] =	ssyncpa.u1 $0x1  }
0x27: {  	[sflag:s2] =	ssyncpa.u1 $0x1  }
0x28: {  	_ =	sfence.stream.spmem  }
0x29: {  	s31 =	simm.s32 $0x3D;
	[bflag:$0x0] =	sbarrier.arrive $0xFFFF  }
0x2a: {  	s2 =	simm.s32 @p0 $0x3D;
	[sflag:s31] =	ssyncpa.u1 $0x0  }
0x2b: {  	[sflag:s2] =	ssyncpa.u1 @p0 $0x1  }
0x2c: {  	[bflag:$0x0] =	sbarrier.arrive @p0 $0xFFFF  }
0x2d: {  	_ =	strace @p0 $0x9000004D  }
0x2e: {  	s3 =	simm.s32 @!p0 $0x1C3D;
	s2 =	simm.s32 @!p0 $0x0;
	[bflag:$0x2] =	sbarrier.arrive @p0 $0xFFFF  }
0x2f: {  	[hbm:s1], [sflag:s3] =	dma.local @!p0 [spmem:s2], $0x100  }
0x30: {  	s1 =	simm.s32 @!p0 $0x3D  }
0x31: {  	_ =	swait.ge @!p0 [sflag:s1], $0x100  }
0x32: {  	[sflag:s1] =	ssyncset.done @!p0 $0x0  }
0x33: {  	[sflag:s1] =	ssyncadd.s32 @!p0 $0xFFFFFF00  }
0x34: {  	[sflag:s1] =	ssyncpa.u1 @!p0 $0x1  }
0x35: {  	[bflag:$0x0] =	sbarrier.arrive @!p0 $0xFFFF  }
0x36: {  	_ =	strace @!p0 $0x9000004D  }
0x37: {  	s0 =	sadd.s32 @!p0 $0x100000, s0;
	[bflag:$0x2] =	sbarrier.arrive @!p0 $0xFFFF  }
0x38: {  	[sflag:s0] =	ssyncadd.tile.s32 @!p0 $0x1;
	_ =	shalt  }
.Lfunc_end2:
_tile_overlayer_lowered:
.L_overlay_start_2:
0x39: {  	(tag) =	ssettag $0x2  }
0x3a: {  	s0 =	rddreg [dreg:$0x0];
	s2 =	stileid.u32  }
0x3b: {  	s1 =	rddreg [dreg:$0x1];
	p0 =	sne.s32 s2, $0x0  }
0x3c: {  	s3 =	rddreg [dreg:$0x2];
	[bflag:$0x3] =	sbarrier.arrive $0xFFFF;
	s2 =	simm.s32 @!p0 $0x1C01  }
0x3d: {  	[timem:s3], [sflag:s2] =	dma.local @!p0 [hbm:s0], s1  }
0x3e: {  	s0 =	simm.s32 @!p0 $0x1  }
0x3f: {  	_ =	swait.ge @!p0 [sflag:s0], s1  }
0x40: {  	s1 =	ssub.s32 @!p0 $0x0, s1;
	[sflag:s0] =	ssyncset.done @!p0 $0x0  }
0x41: {  	[sflag:s0] =	ssyncadd.s32 @!p0 s1  }
0x42: {  	[bflag:$0x3] =	sbarrier.arrive $0xFFFF  }
0x43: {  	_ =	shalt  }

</sc_bundles>
